<compile_context>
chip_gen: v7x
topology: tpu7x:2x2x1
jax: 0.10.2.dev20260603
libtpu: 0.0.44.dev20260713+nightly
codegen_flags: <defaults>
</compile_context>

<pallas_src>
import functools

import jax
import jax.numpy as jnp
from jax import lax
from jax.experimental import pallas as pl
from jax.experimental.pallas import tpu as pltpu
from jax.experimental.pallas import tpu_sc as plsc

NW = 32
NC = 2


def _sc_body(main_w, rem, nacc, x_hbm, edge_hbm,
             s_out, deg_out, x_v, ev_v, ex_v, s_part, deg_part,
             sbuf, dbuf, os_v, od_v, sem, s_all, deg_all):
    c = lax.axis_index("c")
    s = lax.axis_index("s")
    wid = s * NC + c
    cp1 = pltpu.async_copy(x_hbm, x_v, sem)
    cp2 = pltpu.async_copy(edge_hbm.at[:, pl.ds(wid * main_w, main_w)], ev_v,
                           sem)

    @pl.when(wid < rem)
    def _():
        pltpu.sync_copy(
            edge_hbm.at[:, pl.ds(NW * main_w + wid * 128, 128)], ex_v)

    zeros16 = jnp.zeros((16,), jnp.float32)

    @plsc.parallel_loop(0, nacc // 16, unroll=8)
    def _zero(j):
        sl = pl.ds(j * 16, 16)
        s_part[sl] = zeros16
        deg_part[sl] = zeros16

    cp1.wait()
    cp2.wait()

    ones16 = jnp.ones((16,), jnp.float32)

    def edge_vreg(ref, base):
        idx_s = ref[0, pl.ds(base, 16)]
        idx_d = ref[1, pl.ds(base, 16)]
        vals = plsc.load_gather(x_v, [idx_s])
        plsc.addupdate_scatter(s_part, [idx_d], vals)
        plsc.addupdate_scatter(deg_part, [idx_d], ones16)

    @plsc.parallel_loop(0, main_w // 16, unroll=8)
    def _edges(j):
        edge_vreg(ev_v, j * 16)

    @pl.when(wid < rem)
    def _():
        for k in range(128 // 16):
            edge_vreg(ex_v, k * 16)

    pltpu.sync_copy(s_part, s_all.at[s])
    pltpu.sync_copy(deg_part, deg_all.at[s])
    plsc.subcore_barrier()

    w = nacc // 16
    pltpu.sync_copy(s_all.at[:, pl.ds(s * w, w)], sbuf)
    pltpu.sync_copy(deg_all.at[:, pl.ds(s * w, w)], dbuf)

    @plsc.parallel_loop(0, w // 16, unroll=2)
    def _red(v):
        sl = pl.ds(v * 16, 16)
        accs = sbuf[0, sl]
        accd = dbuf[0, sl]
        for k in range(1, 16):
            accs = accs + sbuf[k, sl]
            accd = accd + dbuf[k, sl]
        os_v[sl] = accs
        od_v[sl] = accd
    pltpu.sync_copy(os_v, s_out.at[pl.ds(c * nacc + s * w, w)])
    pltpu.sync_copy(od_v, deg_out.at[pl.ds(c * nacc + s * w, w)])


def _segment_sums(x_flat, edge_index, n):
    e = edge_index.shape[1]
    chunks = e // 128
    base_ch = chunks // NW
    rem = chunks - base_ch * NW
    main_w = base_ch * 128
    nacc = -(-n // 256) * 256
    w = nacc // 16

    fn = pl.kernel(
        functools.partial(_sc_body, main_w, rem, nacc),
        out_type=[jax.ShapeDtypeStruct((NC * nacc,), jnp.float32),
                  jax.ShapeDtypeStruct((NC * nacc,), jnp.float32)],
        mesh=plsc.VectorSubcoreMesh(core_axis_name="c", subcore_axis_name="s"),
        compiler_params=pltpu.CompilerParams(needs_layout_passes=False,
                                             skip_device_barrier=True),
        scratch_types=[
            pltpu.VMEM((x_flat.shape[0],), jnp.float32),
            pltpu.VMEM((2, main_w), jnp.int32),
            pltpu.VMEM((2, 128), jnp.int32),
            pltpu.VMEM((nacc,), jnp.float32),
            pltpu.VMEM((nacc,), jnp.float32),
            pltpu.VMEM((16, w), jnp.float32),
            pltpu.VMEM((16, w), jnp.float32),
            pltpu.VMEM((w,), jnp.float32),
            pltpu.VMEM((w,), jnp.float32),
            pltpu.SemaphoreType.DMA,
            pltpu.VMEM_SHARED((16, nacc), jnp.float32),
            pltpu.VMEM_SHARED((16, nacc), jnp.float32),
        ],
    )
    return fn(x_flat, edge_index)


def _tc_body(n, hdim, nacc, x_r, sp_r, dp_r, u_r, be_r, ws_r, wn_r,
             bp_r, wd_r, bd_r, wt_r, bt_r, y_r, h_r, t_r):
    f32 = jnp.float32
    dn0 = (((0,), (0,)), ((), ()))
    u = u_r[...]
    be = be_r[...]
    ws = ws_r[...]
    wn = wn_r[...]
    a1 = jnp.dot(u, ws, preferred_element_type=f32)
    a2 = jnp.dot(u, wn, preferred_element_type=f32)
    a3 = jnp.dot(be, wn, preferred_element_type=f32)
    a4 = jnp.dot(be, ws, preferred_element_type=f32) + bp_r[...]
    amat = jnp.concatenate([a1, a2, a3, a4], axis=0)

    x_row = x_r[...].reshape(1, n)
    sp = sp_r[...]
    dp = dp_r[...]
    s_row = (sp[0:n] + sp[nacc:nacc + n]).reshape(1, n)
    deg = (dp[0:n] + dp[nacc:nacc + n]).reshape(1, n)
    cde = jnp.maximum(deg, 1.0)
    r_row = s_row / cde
    m_row = jnp.minimum(deg, 1.0)
    rows4 = jnp.concatenate(
        [x_row, r_row, m_row, jnp.ones((1, n), f32)], axis=0)
    x4 = lax.dot_general(rows4, jnp.eye(4, dtype=f32), dn0,
                         preferred_element_type=f32)

    pre = jnp.dot(x4, amat, preferred_element_type=f32)
    h = jnp.maximum(pre, 0.0)
    h_r[...] = h

    wd = wd_r[...]
    wd1 = wd[:hdim, :]
    wd2 = wd[hdim:, :]
    c1 = jnp.dot(u, wd2, preferred_element_type=f32)
    c0 = jnp.dot(be, wd2, preferred_element_type=f32)
    x_col = x4[:, 0:1]
    logits = (jnp.dot(h, wd1, preferred_element_type=f32)
              + x_col * c1 + c0 + bd_r[...])
    y_r[...] = jax.nn.sigmoid(logits)

    psum = jnp.sum(h, axis=0, keepdims=True)
    pmax = jnp.max(h, axis=0, keepdims=True)
    wt = wt_r[...]
    tt = (jnp.dot(pmax, wt[:hdim, :], preferred_element_type=f32)
          + jnp.dot(psum * (1.0 / n), wt[hdim:, :], preferred_element_type=f32)
          + bt_r[...])
    t_r[...] = jax.nn.sigmoid(tt)


def kernel(x, edge_index, W_enc, b_enc, W_self, W_neigh, b_proc, W_dec,
           b_dec, W_term, b_term):
    n = x.shape[0]
    hdim = W_self.shape[0]
    x_flat = x.reshape(n)

    s_parts, deg_parts = _segment_sums(x_flat, edge_index, n)

    u = W_enc[0:1, :]
    be = b_enc.reshape(1, hdim)
    bp = b_proc.reshape(1, hdim)
    bd = b_dec.reshape(1, 1)
    bt = b_term.reshape(1, 1)

    full = lambda a: pl.BlockSpec(a.shape, lambda: (0,) * a.ndim)
    args = (x_flat, s_parts, deg_parts, u, be, W_self, W_neigh, bp,
            W_dec, bd, W_term, bt)
    nacc = s_parts.shape[0] // NC
    y, h, t2 = pl.pallas_call(
        functools.partial(_tc_body, n, hdim, nacc),
        in_specs=[full(a) for a in args],
        out_specs=[pl.BlockSpec((n, 1), lambda: (0, 0)),
                   pl.BlockSpec((n, hdim), lambda: (0, 0)),
                   pl.BlockSpec((1, 1), lambda: (0, 0))],
        out_shape=[jax.ShapeDtypeStruct((n, 1), jnp.float32),
                   jax.ShapeDtypeStruct((n, hdim), jnp.float32),
                   jax.ShapeDtypeStruct((1, 1), jnp.float32)],
    )(*args)

    return (y, h, t2.reshape(1))

# --- scband reference (transcript-rebuilt; emitter-appended) ---
"""Pipeline reference for scband-base-model-11166914969999 (READ-ONLY COPY).

The authoritative reference and input builder live on the scoring server;
editing this copy changes nothing except your own understanding.
"""

import jax, jax.numpy as jnp
import numpy as np

N = 10000
E = 320000
H = 128

def setup_inputs(seed: int = 0) -> dict:
    key = jax.random.key(seed)
    ks = jax.random.split(key, 12)
    x = jax.random.normal(ks[0], (N, 1), dtype=jnp.float32)
    edge_index = jax.random.randint(ks[1], (2, E), 0, N, dtype=jnp.int32)
    s_enc = 1.0 / np.sqrt(H + 1)
    s_h = 1.0 / np.sqrt(H)
    s_2h = 1.0 / np.sqrt(2 * H)
    W_enc = jax.random.normal(ks[2], (H + 1, H), dtype=jnp.float32) * s_enc
    b_enc = jnp.zeros((H,), dtype=jnp.float32)
    W_self = jax.random.normal(ks[3], (H, H), dtype=jnp.float32) * s_h
    W_neigh = jax.random.normal(ks[4], (H, H), dtype=jnp.float32) * s_h
    b_proc = jnp.zeros((H,), dtype=jnp.float32)
    W_dec = jax.random.normal(ks[5], (2 * H, 1), dtype=jnp.float32) * s_2h
    b_dec = jnp.zeros((1,), dtype=jnp.float32)
    W_term = jax.random.normal(ks[6], (2 * H, 1), dtype=jnp.float32) * s_2h
    b_term = jnp.zeros((1,), dtype=jnp.float32)
    return {"x": x, "edge_index": edge_index, "W_enc": W_enc, "b_enc": b_enc,
            "W_self": W_self, "W_neigh": W_neigh, "b_proc": b_proc,
            "W_dec": W_dec, "b_dec": b_dec, "W_term": W_term, "b_term": b_term}

def reference(x, edge_index, W_enc, b_enc, W_self, W_neigh, b_proc, W_dec, b_dec, W_term, b_term):
    n = x.shape[0]
    # h is None -> zeros_like(x).repeat(1, hidden_dim) => [N, H] zeros
    h0 = jnp.zeros((n, H), dtype=x.dtype)
    z = jnp.concatenate([x, h0], axis=1) @ W_enc + b_enc
    # processor: GraphSAGE-mean message passing layer (concrete _get_layer choice)
    src = edge_index[0]
    dst = edge_index[1]
    msgs = z[src]  # gather: [E, H]
    agg = jax.ops.segment_sum(msgs, dst, num_segments=n)
    deg = jax.ops.segment_sum(jnp.ones((msgs.shape[0],), dtype=z.dtype), dst, num_segments=n)
    agg = agg / jnp.clip(deg, 1.0)[:, None]
    h = jax.nn.relu(z @ W_self + agg @ W_neigh + b_proc)
    # decoder with last_layer_activation='sigmoid'
    y = jax.nn.sigmoid(jnp.concatenate([h, z], axis=1) @ W_dec + b_dec)
    # mean node embedding broadcast
    h_bar = jnp.tile(jnp.sum(h, axis=0, keepdims=True), (n, 1)) / n
    t_in = jnp.concatenate([h, h_bar], axis=1)  # [N, 2H]
    # adaptive_max_pool1d over nodes -> [2H], then Linear(2H,1)
    pooled = jnp.max(t_in, axis=0)
    t = jax.nn.sigmoid(pooled @ W_term + b_term)
    return (y, h, t)

if __name__ == "__main__":
    import jax
    _d = setup_inputs()
    print(jax.jit(kernel)(*tuple(_d.values())))

</pallas_src>

<mosaic_0001>
#map = affine_map<(d0, d1) -> (0)>
#map1 = affine_map<(d0, d1) -> (0, 0)>
module attributes {stable_mosaic.version = 14 : i64} {
  func.func @_sc_body(%arg0: i32, %arg1: i32, %arg2: memref<10000xf32, #tpu.memory_space<hbm>>, %arg3: memref<2x320000xi32, #tpu.memory_space<hbm>>, %arg4: memref<20480xf32, #tpu.memory_space<hbm>>, %arg5: memref<20480xf32, #tpu.memory_space<hbm>>, %arg6: memref<10000xf32, #tpu.memory_space<vmem>>, %arg7: memref<2x9984xi32, #tpu.memory_space<vmem>>, %arg8: memref<2x128xi32, #tpu.memory_space<vmem>>, %arg9: memref<10240xf32, #tpu.memory_space<vmem>>, %arg10: memref<10240xf32, #tpu.memory_space<vmem>>, %arg11: memref<16x640xf32, #tpu.memory_space<vmem>>, %arg12: memref<16x640xf32, #tpu.memory_space<vmem>>, %arg13: memref<640xf32, #tpu.memory_space<vmem>>, %arg14: memref<640xf32, #tpu.memory_space<vmem>>, %arg15: memref<!tpu.dma_semaphore, #tpu.memory_space<semaphore_mem>>, %arg16: memref<16x10240xf32, #tpu.memory_space<vmem_shared>>, %arg17: memref<16x10240xf32, #tpu.memory_space<vmem_shared>>) attributes {dimension_semantics = [#tpu.dimension_semantics<core_parallel>, #tpu.dimension_semantics<subcore_parallel>], iteration_bounds = array<i64: 2, 16>, scalar_prefetch = 0 : i64, scratch_operands = 12 : i64, tpu.core_type = #tpu.core_type<sc_vector_subcore>, window_params = [{transform_indices = #map}, {transform_indices = #map1}, {transform_indices = #map}, {transform_indices = #map}]} {
    %mul3A = arith.constant 2 : i32
    %mul3A_0 = arith.muli %arg1, %mul3A : i32
    %add3A = arith.addi %mul3A_0, %arg0 : i32
    tpu.enqueue_dma source(%arg2 : memref<10000xf32, #tpu.memory_space<hbm>>) target(%arg6 : memref<10000xf32, #tpu.memory_space<vmem>>) target_semaphore(%arg15 : memref<!tpu.dma_semaphore, #tpu.memory_space<semaphore_mem>>)
    %mul3A_1 = arith.constant 9984 : i32
    %mul3A_2 = arith.muli %add3A, %mul3A_1 : i32
    %dma_start3A = arith.constant 0 : i32
    %dma_start3A_3 = tpu.memref_slice %arg3[%dma_start3A, %mul3A_2] : memref<2x320000xi32, #tpu.memory_space<hbm>> -> memref<2x9984xi32, #tpu.memory_space<hbm>>
    %dma_start3A_4 = arith.constant 0 : i32
    %dma_start3A_5 = tpu.memref_slice %arg3[%dma_start3A_4, %mul3A_2] : memref<2x320000xi32, #tpu.memory_space<hbm>> -> memref<2x9984xi32, #tpu.memory_space<hbm>>
    tpu.enqueue_dma source(%dma_start3A_5 : memref<2x9984xi32, #tpu.memory_space<hbm>>) target(%arg7 : memref<2x9984xi32, #tpu.memory_space<vmem>>) target_semaphore(%arg15 : memref<!tpu.dma_semaphore, #tpu.memory_space<semaphore_mem>>)
    %lt3A = arith.constant 4 : i32
    %lt3A_6 = arith.cmpi slt, %add3A, %lt3A : i32
    %convert_element_type3A = arith.extui %lt3A_6 : i1 to i32
    %cond3A = arith.constant 0 : i32
    %cond3A_7 = arith.cmpi ne, %convert_element_type3A, %cond3A : i32
    scf.if %cond3A_7 {
      %mul3A_41 = arith.constant 128 : i32
      %mul3A_42 = arith.muli %add3A, %mul3A_41 : i32
      %add3A_43 = arith.constant 319488 : i32
      %add3A_44 = arith.addi %add3A_43, %mul3A_42 : i32
      "tpu.region"() ({
        %run_scoped3A = tpu.sem_alloc : memref<!tpu.dma_semaphore, #tpu.memory_space<semaphore_mem>>
        %dma_start3A_45 = arith.constant 0 : i32
        %dma_start3A_46 = tpu.memref_slice %arg3[%dma_start3A_45, %add3A_44] : memref<2x320000xi32, #tpu.memory_space<hbm>> -> memref<2x128xi32, #tpu.memory_space<hbm>>
        %dma_start3A_47 = arith.constant 0 : i32
        %dma_start3A_48 = tpu.memref_slice %arg3[%dma_start3A_47, %add3A_44] : memref<2x320000xi32, #tpu.memory_space<hbm>> -> memref<2x128xi32, #tpu.memory_space<hbm>>
        tpu.enqueue_dma source(%dma_start3A_48 : memref<2x128xi32, #tpu.memory_space<hbm>>) target(%arg8 : memref<2x128xi32, #tpu.memory_space<vmem>>) target_semaphore(%run_scoped3A : memref<!tpu.dma_semaphore, #tpu.memory_space<semaphore_mem>>)
        %dma_wait3A_49 = arith.constant 0 : i32
        %dma_wait3A_50 = tpu.memref_slice %arg3[%dma_wait3A_49, %add3A_44] : memref<2x320000xi32, #tpu.memory_space<hbm>> -> memref<2x128xi32, #tpu.memory_space<hbm>>
        %dma_wait3A_51 = arith.constant 0 : i32
        %dma_wait3A_52 = tpu.memref_slice %arg3[%dma_wait3A_51, %add3A_44] : memref<2x320000xi32, #tpu.memory_space<hbm>> -> memref<2x128xi32, #tpu.memory_space<hbm>>
        tpu.wait_dma2 semaphore(%run_scoped3A : memref<!tpu.dma_semaphore, #tpu.memory_space<semaphore_mem>>) src(%dma_wait3A_52 : memref<2x128xi32, #tpu.memory_space<hbm>>) dst(%arg8 : memref<2x128xi32, #tpu.memory_space<vmem>>)
        tpu.yield
      }) : () -> ()
    } else {
    }
    %broadcast_in_dim3A = arith.constant 0.000000e+00 : f32
    %broadcast_in_dim3A_8 = vector.broadcast %broadcast_in_dim3A : f32 to vector<16xf32>
    %parallel_loop3A = arith.constant 0 : i32
    %parallel_loop3A_9 = arith.constant 640 : i32
    %parallel_loop3A_10 = arith.constant 1 : i32
    scf.for %parallel_loop3A_41 = %parallel_loop3A to %parallel_loop3A_9 step %parallel_loop3A_10  : i32 {
      %parallel_loop3A_42 = arith.constant 16 : i32
      %parallel_loop3A_43 = arith.muli %parallel_loop3A_41, %parallel_loop3A_42 : i32
      %parallel_loop3A_44 = arith.index_cast %parallel_loop3A_43 : i32 to index
      %parallel_loop3A_45 = tpu.vector_load %arg9[%parallel_loop3A_44] {strides = array<i32>} : memref<10240xf32, #tpu.memory_space<vmem>>, vector<16xf32>,
      tpu.vector_store %arg9[%parallel_loop3A_44], %broadcast_in_dim3A_8 {strides = array<i32>} : memref<10240xf32, #tpu.memory_space<vmem>>, vector<16xf32>,
      %parallel_loop3A_46 = arith.index_cast %parallel_loop3A_43 : i32 to index
      %parallel_loop3A_47 = tpu.vector_load %arg10[%parallel_loop3A_46] {strides = array<i32>} : memref<10240xf32, #tpu.memory_space<vmem>>, vector<16xf32>,
      tpu.vector_store %arg10[%parallel_loop3A_46], %broadcast_in_dim3A_8 {strides = array<i32>} : memref<10240xf32, #tpu.memory_space<vmem>>, vector<16xf32>,
    } {sc.loop_unroll_factor = 8 : i64, sc.parallel_access}
    tpu.wait_dma2 semaphore(%arg15 : memref<!tpu.dma_semaphore, #tpu.memory_space<semaphore_mem>>) src(%arg2 : memref<10000xf32, #tpu.memory_space<hbm>>) dst(%arg6 : memref<10000xf32, #tpu.memory_space<vmem>>)
    %dma_wait3A = arith.constant 0 : i32
    %dma_wait3A_11 = tpu.memref_slice %arg3[%dma_wait3A, %mul3A_2] : memref<2x320000xi32, #tpu.memory_space<hbm>> -> memref<2x9984xi32, #tpu.memory_space<hbm>>
    %dma_wait3A_12 = arith.constant 0 : i32
    %dma_wait3A_13 = tpu.memref_slice %arg3[%dma_wait3A_12, %mul3A_2] : memref<2x320000xi32, #tpu.memory_space<hbm>> -> memref<2x9984xi32, #tpu.memory_space<hbm>>
    tpu.wait_dma2 semaphore(%arg15 : memref<!tpu.dma_semaphore, #tpu.memory_space<semaphore_mem>>) src(%dma_wait3A_13 : memref<2x9984xi32, #tpu.memory_space<hbm>>) dst(%arg7 : memref<2x9984xi32, #tpu.memory_space<vmem>>)
    %broadcast_in_dim3A_14 = arith.constant 1.000000e+00 : f32
    %broadcast_in_dim3A_15 = vector.broadcast %broadcast_in_dim3A_14 : f32 to vector<16xf32>
    %parallel_loop3A_16 = arith.constant 0 : i32
    %parallel_loop3A_17 = arith.constant 624 : i32
    %parallel_loop3A_18 = arith.constant 1 : i32
    scf.for %parallel_loop3A_41 = %parallel_loop3A_16 to %parallel_loop3A_17 step %parallel_loop3A_18  : i32 {
      %parallel_loop3A_42 = arith.constant 16 : i32
      %parallel_loop3A_43 = arith.muli %parallel_loop3A_41, %parallel_loop3A_42 : i32
      %parallel_loop3A_44 = arith.constant 0 : i32
      %parallel_loop3A_45 = arith.index_cast %parallel_loop3A_44 : i32 to index
      %parallel_loop3A_46 = arith.index_cast %parallel_loop3A_43 : i32 to index
      %parallel_loop3A_47 = tpu.vector_load %arg7[%parallel_loop3A_45, %parallel_loop3A_46] {strides = array<i32>} : memref<2x9984xi32, #tpu.memory_space<vmem>>, vector<16xi32>,
      %parallel_loop3A_48 = arith.constant 1 : i32
      %parallel_loop3A_49 = arith.index_cast %parallel_loop3A_48 : i32 to index
      %parallel_loop3A_50 = arith.index_cast %parallel_loop3A_43 : i32 to index
      %parallel_loop3A_51 = tpu.vector_load %arg7[%parallel_loop3A_49, %parallel_loop3A_50] {strides = array<i32>} : memref<2x9984xi32, #tpu.memory_space<vmem>>, vector<16xi32>,
      %parallel_loop3A_52 = tpu.vector_load_idx %arg6[%parallel_loop3A_47] : memref<10000xf32, #tpu.memory_space<vmem>>[vector<16xi32>], vector<16xf32>,
      tpu.vector_store_idx %arg9[%parallel_loop3A_51], %parallel_loop3A_52 {add = true} : memref<10240xf32, #tpu.memory_space<vmem>>[vector<16xi32>], vector<16xf32>,
      tpu.vector_store_idx %arg10[%parallel_loop3A_51], %broadcast_in_dim3A_15 {add = true} : memref<10240xf32, #tpu.memory_space<vmem>>[vector<16xi32>], vector<16xf32>,
    } {sc.loop_unroll_factor = 8 : i64, sc.parallel_access}
    %lt3A_19 = arith.constant 4 : i32
    %lt3A_20 = arith.cmpi slt, %add3A, %lt3A_19 : i32
    %convert_element_type3A_21 = arith.extui %lt3A_20 : i1 to i32
    %cond3A_22 = arith.constant 0 : i32
    %cond3A_23 = arith.cmpi ne, %convert_element_type3A_21, %cond3A_22 : i32
    scf.if %cond3A_23 {
      %get3A = arith.constant 0 : i32
      %get3A_41 = arith.index_cast %get3A : i32 to index
      %get3A_42 = arith.constant 0 : index
      %get3A_43 = tpu.vector_load %arg8[%get3A_41, %get3A_42] {strides = array<i32>} : memref<2x128xi32, #tpu.memory_space<vmem>>, vector<16xi32>,
      %get3A_44 = arith.constant 1 : i32
      %get3A_45 = arith.index_cast %get3A_44 : i32 to index
      %get3A_46 = arith.constant 0 : index
      %get3A_47 = tpu.vector_load %arg8[%get3A_45, %get3A_46] {strides = array<i32>} : memref<2x128xi32, #tpu.memory_space<vmem>>, vector<16xi32>,
      %gather3A = tpu.vector_load_idx %arg6[%get3A_43] : memref<10000xf32, #tpu.memory_space<vmem>>[vector<16xi32>], vector<16xf32>,
      tpu.vector_store_idx %arg9[%get3A_47], %gather3A {add = true} : memref<10240xf32, #tpu.memory_space<vmem>>[vector<16xi32>], vector<16xf32>,
      tpu.vector_store_idx %arg10[%get3A_47], %broadcast_in_dim3A_15 {add = true} : memref<10240xf32, #tpu.memory_space<vmem>>[vector<16xi32>], vector<16xf32>,
      %get3A_48 = arith.constant 0 : i32
      %get3A_49 = arith.index_cast %get3A_48 : i32 to index
      %get3A_50 = arith.constant 16 : index
      %get3A_51 = tpu.vector_load %arg8[%get3A_49, %get3A_50] {strides = array<i32>} : memref<2x128xi32, #tpu.memory_space<vmem>>, vector<16xi32>,
      %get3A_52 = arith.constant 1 : i32
      %get3A_53 = arith.index_cast %get3A_52 : i32 to index
      %get3A_54 = arith.constant 16 : index
      %get3A_55 = tpu.vector_load %arg8[%get3A_53, %get3A_54] {strides = array<i32>} : memref<2x128xi32, #tpu.memory_space<vmem>>, vector<16xi32>,
      %gather3A_56 = tpu.vector_load_idx %arg6[%get3A_51] : memref<10000xf32, #tpu.memory_space<vmem>>[vector<16xi32>], vector<16xf32>,
      tpu.vector_store_idx %arg9[%get3A_55], %gather3A_56 {add = true} : memref<10240xf32, #tpu.memory_space<vmem>>[vector<16xi32>], vector<16xf32>,
      tpu.vector_store_idx %arg10[%get3A_55], %broadcast_in_dim3A_15 {add = true} : memref<10240xf32, #tpu.memory_space<vmem>>[vector<16xi32>], vector<16xf32>,
      %get3A_57 = arith.constant 0 : i32
      %get3A_58 = arith.index_cast %get3A_57 : i32 to index
      %get3A_59 = arith.constant 32 : index
      %get3A_60 = tpu.vector_load %arg8[%get3A_58, %get3A_59] {strides = array<i32>} : memref<2x128xi32, #tpu.memory_space<vmem>>, vector<16xi32>,
      %get3A_61 = arith.constant 1 : i32
      %get3A_62 = arith.index_cast %get3A_61 : i32 to index
      %get3A_63 = arith.constant 32 : index
      %get3A_64 = tpu.vector_load %arg8[%get3A_62, %get3A_63] {strides = array<i32>} : memref<2x128xi32, #tpu.memory_space<vmem>>, vector<16xi32>,
      %gather3A_65 = tpu.vector_load_idx %arg6[%get3A_60] : memref<10000xf32, #tpu.memory_space<vmem>>[vector<16xi32>], vector<16xf32>,
      tpu.vector_store_idx %arg9[%get3A_64], %gather3A_65 {add = true} : memref<10240xf32, #tpu.memory_space<vmem>>[vector<16xi32>], vector<16xf32>,
      tpu.vector_store_idx %arg10[%get3A_64], %broadcast_in_dim3A_15 {add = true} : memref<10240xf32, #tpu.memory_space<vmem>>[vector<16xi32>], vector<16xf32>,
      %get3A_66 = arith.constant 0 : i32
      %get3A_67 = arith.index_cast %get3A_66 : i32 to index
      %get3A_68 = arith.constant 48 : index
      %get3A_69 = tpu.vector_load %arg8[%get3A_67, %get3A_68] {strides = array<i32>} : memref<2x128xi32, #tpu.memory_space<vmem>>, vector<16xi32>,
      %get3A_70 = arith.constant 1 : i32
      %get3A_71 = arith.index_cast %get3A_70 : i32 to index
      %get3A_72 = arith.constant 48 : index
      %get3A_73 = tpu.vector_load %arg8[%get3A_71, %get3A_72] {strides = array<i32>} : memref<2x128xi32, #tpu.memory_space<vmem>>, vector<16xi32>,
      %gather3A_74 = tpu.vector_load_idx %arg6[%get3A_69] : memref<10000xf32, #tpu.memory_space<vmem>>[vector<16xi32>], vector<16xf32>,
      tpu.vector_store_idx %arg9[%get3A_73], %gather3A_74 {add = true} : memref<10240xf32, #tpu.memory_space<vmem>>[vector<16xi32>], vector<16xf32>,
      tpu.vector_store_idx %arg10[%get3A_73], %broadcast_in_dim3A_15 {add = true} : memref<10240xf32, #tpu.memory_space<vmem>>[vector<16xi32>], vector<16xf32>,
      %get3A_75 = arith.constant 0 : i32
      %get3A_76 = arith.index_cast %get3A_75 : i32 to index
      %get3A_77 = arith.constant 64 : index
      %get3A_78 = tpu.vector_load %arg8[%get3A_76, %get3A_77] {strides = array<i32>} : memref<2x128xi32, #tpu.memory_space<vmem>>, vector<16xi32>,
      %get3A_79 = arith.constant 1 : i32
      %get3A_80 = arith.index_cast %get3A_79 : i32 to index
      %get3A_81 = arith.constant 64 : index
      %get3A_82 = tpu.vector_load %arg8[%get3A_80, %get3A_81] {strides = array<i32>} : memref<2x128xi32, #tpu.memory_space<vmem>>, vector<16xi32>,
      %gather3A_83 = tpu.vector_load_idx %arg6[%get3A_78] : memref<10000xf32, #tpu.memory_space<vmem>>[vector<16xi32>], vector<16xf32>,
      tpu.vector_store_idx %arg9[%get3A_82], %gather3A_83 {add = true} : memref<10240xf32, #tpu.memory_space<vmem>>[vector<16xi32>], vector<16xf32>,
      tpu.vector_store_idx %arg10[%get3A_82], %broadcast_in_dim3A_15 {add = true} : memref<10240xf32, #tpu.memory_space<vmem>>[vector<16xi32>], vector<16xf32>,
      %get3A_84 = arith.constant 0 : i32
      %get3A_85 = arith.index_cast %get3A_84 : i32 to index
      %get3A_86 = arith.constant 80 : index
      %get3A_87 = tpu.vector_load %arg8[%get3A_85, %get3A_86] {strides = array<i32>} : memref<2x128xi32, #tpu.memory_space<vmem>>, vector<16xi32>,
      %get3A_88 = arith.constant 1 : i32
      %get3A_89 = arith.index_cast %get3A_88 : i32 to index
      %get3A_90 = arith.constant 80 : index
      %get3A_91 = tpu.vector_load %arg8[%get3A_89, %get3A_90] {strides = array<i32>} : memref<2x128xi32, #tpu.memory_space<vmem>>, vector<16xi32>,
      %gather3A_92 = tpu.vector_load_idx %arg6[%get3A_87] : memref<10000xf32, #tpu.memory_space<vmem>>[vector<16xi32>], vector<16xf32>,
      tpu.vector_store_idx %arg9[%get3A_91], %gather3A_92 {add = true} : memref<10240xf32, #tpu.memory_space<vmem>>[vector<16xi32>], vector<16xf32>,
      tpu.vector_store_idx %arg10[%get3A_91], %broadcast_in_dim3A_15 {add = true} : memref<10240xf32, #tpu.memory_space<vmem>>[vector<16xi32>], vector<16xf32>,
      %get3A_93 = arith.constant 0 : i32
      %get3A_94 = arith.index_cast %get3A_93 : i32 to index
      %get3A_95 = arith.constant 96 : index
      %get3A_96 = tpu.vector_load %arg8[%get3A_94, %get3A_95] {strides = array<i32>} : memref<2x128xi32, #tpu.memory_space<vmem>>, vector<16xi32>,
      %get3A_97 = arith.constant 1 : i32
      %get3A_98 = arith.index_cast %get3A_97 : i32 to index
      %get3A_99 = arith.constant 96 : index
      %get3A_100 = tpu.vector_load %arg8[%get3A_98, %get3A_99] {strides = array<i32>} : memref<2x128xi32, #tpu.memory_space<vmem>>, vector<16xi32>,
      %gather3A_101 = tpu.vector_load_idx %arg6[%get3A_96] : memref<10000xf32, #tpu.memory_space<vmem>>[vector<16xi32>], vector<16xf32>,
      tpu.vector_store_idx %arg9[%get3A_100], %gather3A_101 {add = true} : memref<10240xf32, #tpu.memory_space<vmem>>[vector<16xi32>], vector<16xf32>,
      tpu.vector_store_idx %arg10[%get3A_100], %broadcast_in_dim3A_15 {add = true} : memref<10240xf32, #tpu.memory_space<vmem>>[vector<16xi32>], vector<16xf32>,
      %get3A_102 = arith.constant 0 : i32
      %get3A_103 = arith.index_cast %get3A_102 : i32 to index
      %get3A_104 = arith.constant 112 : index
      %get3A_105 = tpu.vector_load %arg8[%get3A_103, %get3A_104] {strides = array<i32>} : memref<2x128xi32, #tpu.memory_space<vmem>>, vector<16xi32>,
      %get3A_106 = arith.constant 1 : i32
      %get3A_107 = arith.index_cast %get3A_106 : i32 to index
      %get3A_108 = arith.constant 112 : index
      %get3A_109 = tpu.vector_load %arg8[%get3A_107, %get3A_108] {strides = array<i32>} : memref<2x128xi32, #tpu.memory_space<vmem>>, vector<16xi32>,
      %gather3A_110 = tpu.vector_load_idx %arg6[%get3A_105] : memref<10000xf32, #tpu.memory_space<vmem>>[vector<16xi32>], vector<16xf32>,
      tpu.vector_store_idx %arg9[%get3A_109], %gather3A_110 {add = true} : memref<10240xf32, #tpu.memory_space<vmem>>[vector<16xi32>], vector<16xf32>,
      tpu.vector_store_idx %arg10[%get3A_109], %broadcast_in_dim3A_15 {add = true} : memref<10240xf32, #tpu.memory_space<vmem>>[vector<16xi32>], vector<16xf32>,
    } else {
    }
    "tpu.region"() ({
      %run_scoped3A = tpu.sem_alloc : memref<!tpu.dma_semaphore, #tpu.memory_space<semaphore_mem>>
      %dma_start3A_41 = arith.constant 0 : i32
      %dma_start3A_42 = tpu.memref_slice %arg16[%arg1, %dma_start3A_41] : memref<16x10240xf32, #tpu.memory_space<vmem_shared>> -> memref<1x10240xf32, #tpu.memory_space<vmem_shared>>
      %dma_start3A_43 = tpu.memref_squeeze %dma_start3A_42 : memref<1x10240xf32, #tpu.memory_space<vmem_shared>> -> memref<10240xf32, #tpu.memory_space<vmem_shared>>
      %dma_start3A_44 = arith.constant 0 : i32
      %dma_start3A_45 = tpu.memref_slice %arg16[%arg1, %dma_start3A_44] : memref<16x10240xf32, #tpu.memory_space<vmem_shared>> -> memref<1x10240xf32, #tpu.memory_space<vmem_shared>>
      %dma_start3A_46 = tpu.memref_squeeze %dma_start3A_45 : memref<1x10240xf32, #tpu.memory_space<vmem_shared>> -> memref<10240xf32, #tpu.memory_space<vmem_shared>>
      tpu.enqueue_dma source(%arg9 : memref<10240xf32, #tpu.memory_space<vmem>>) target(%dma_start3A_46 : memref<10240xf32, #tpu.memory_space<vmem_shared>>) target_semaphore(%run_scoped3A : memref<!tpu.dma_semaphore, #tpu.memory_space<semaphore_mem>>)
      %dma_wait3A_47 = arith.constant 0 : i32
      %dma_wait3A_48 = tpu.memref_slice %arg16[%arg1, %dma_wait3A_47] : memref<16x10240xf32, #tpu.memory_space<vmem_shared>> -> memref<1x10240xf32, #tpu.memory_space<vmem_shared>>
      %dma_wait3A_49 = tpu.memref_squeeze %dma_wait3A_48 : memref<1x10240xf32, #tpu.memory_space<vmem_shared>> -> memref<10240xf32, #tpu.memory_space<vmem_shared>>
      %dma_wait3A_50 = arith.constant 0 : i32
      %dma_wait3A_51 = tpu.memref_slice %arg16[%arg1, %dma_wait3A_50] : memref<16x10240xf32, #tpu.memory_space<vmem_shared>> -> memref<1x10240xf32, #tpu.memory_space<vmem_shared>>
      %dma_wait3A_52 = tpu.memref_squeeze %dma_wait3A_51 : memref<1x10240xf32, #tpu.memory_space<vmem_shared>> -> memref<10240xf32, #tpu.memory_space<vmem_shared>>
      tpu.wait_dma2 semaphore(%run_scoped3A : memref<!tpu.dma_semaphore, #tpu.memory_space<semaphore_mem>>) src(%arg9 : memref<10240xf32, #tpu.memory_space<vmem>>) dst(%dma_wait3A_52 : memref<10240xf32, #tpu.memory_space<vmem_shared>>)
      tpu.yield
    }) : () -> ()
    "tpu.region"() ({
      %run_scoped3A = tpu.sem_alloc : memref<!tpu.dma_semaphore, #tpu.memory_space<semaphore_mem>>
      %dma_start3A_41 = arith.constant 0 : i32
      %dma_start3A_42 = tpu.memref_slice %arg17[%arg1, %dma_start3A_41] : memref<16x10240xf32, #tpu.memory_space<vmem_shared>> -> memref<1x10240xf32, #tpu.memory_space<vmem_shared>>
      %dma_start3A_43 = tpu.memref_squeeze %dma_start3A_42 : memref<1x10240xf32, #tpu.memory_space<vmem_shared>> -> memref<10240xf32, #tpu.memory_space<vmem_shared>>
      %dma_start3A_44 = arith.constant 0 : i32
      %dma_start3A_45 = tpu.memref_slice %arg17[%arg1, %dma_start3A_44] : memref<16x10240xf32, #tpu.memory_space<vmem_shared>> -> memref<1x10240xf32, #tpu.memory_space<vmem_shared>>
      %dma_start3A_46 = tpu.memref_squeeze %dma_start3A_45 : memref<1x10240xf32, #tpu.memory_space<vmem_shared>> -> memref<10240xf32, #tpu.memory_space<vmem_shared>>
      tpu.enqueue_dma source(%arg10 : memref<10240xf32, #tpu.memory_space<vmem>>) target(%dma_start3A_46 : memref<10240xf32, #tpu.memory_space<vmem_shared>>) target_semaphore(%run_scoped3A : memref<!tpu.dma_semaphore, #tpu.memory_space<semaphore_mem>>)
      %dma_wait3A_47 = arith.constant 0 : i32
      %dma_wait3A_48 = tpu.memref_slice %arg17[%arg1, %dma_wait3A_47] : memref<16x10240xf32, #tpu.memory_space<vmem_shared>> -> memref<1x10240xf32, #tpu.memory_space<vmem_shared>>
      %dma_wait3A_49 = tpu.memref_squeeze %dma_wait3A_48 : memref<1x10240xf32, #tpu.memory_space<vmem_shared>> -> memref<10240xf32, #tpu.memory_space<vmem_shared>>
      %dma_wait3A_50 = arith.constant 0 : i32
      %dma_wait3A_51 = tpu.memref_slice %arg17[%arg1, %dma_wait3A_50] : memref<16x10240xf32, #tpu.memory_space<vmem_shared>> -> memref<1x10240xf32, #tpu.memory_space<vmem_shared>>
      %dma_wait3A_52 = tpu.memref_squeeze %dma_wait3A_51 : memref<1x10240xf32, #tpu.memory_space<vmem_shared>> -> memref<10240xf32, #tpu.memory_space<vmem_shared>>
      tpu.wait_dma2 semaphore(%run_scoped3A : memref<!tpu.dma_semaphore, #tpu.memory_space<semaphore_mem>>) src(%arg10 : memref<10240xf32, #tpu.memory_space<vmem>>) dst(%dma_wait3A_52 : memref<10240xf32, #tpu.memory_space<vmem_shared>>)
      tpu.yield
    }) : () -> ()
    %barrier3A = arith.constant 0 : index
    tpu.barrier barrier_id(%barrier3A)
    %mul3A_24 = arith.constant 640 : i32
    %mul3A_25 = arith.muli %arg1, %mul3A_24 : i32
    "tpu.region"() ({
      %run_scoped3A = tpu.sem_alloc : memref<!tpu.dma_semaphore, #tpu.memory_space<semaphore_mem>>
      %dma_start3A_41 = arith.constant 0 : i32
      %dma_start3A_42 = tpu.memref_slice %arg16[%dma_start3A_41, %mul3A_25] : memref<16x10240xf32, #tpu.memory_space<vmem_shared>> -> memref<16x640xf32, #tpu.memory_space<vmem_shared>>
      %dma_start3A_43 = arith.constant 0 : i32
      %dma_start3A_44 = tpu.memref_slice %arg16[%dma_start3A_43, %mul3A_25] : memref<16x10240xf32, #tpu.memory_space<vmem_shared>> -> memref<16x640xf32, #tpu.memory_space<vmem_shared>>
      tpu.enqueue_dma source(%dma_start3A_44 : memref<16x640xf32, #tpu.memory_space<vmem_shared>>) target(%arg11 : memref<16x640xf32, #tpu.memory_space<vmem>>) target_semaphore(%run_scoped3A : memref<!tpu.dma_semaphore, #tpu.memory_space<semaphore_mem>>)
      %dma_wait3A_45 = arith.constant 0 : i32
      %dma_wait3A_46 = tpu.memref_slice %arg16[%dma_wait3A_45, %mul3A_25] : memref<16x10240xf32, #tpu.memory_space<vmem_shared>> -> memref<16x640xf32, #tpu.memory_space<vmem_shared>>
      %dma_wait3A_47 = arith.constant 0 : i32
      %dma_wait3A_48 = tpu.memref_slice %arg16[%dma_wait3A_47, %mul3A_25] : memref<16x10240xf32, #tpu.memory_space<vmem_shared>> -> memref<16x640xf32, #tpu.memory_space<vmem_shared>>
      tpu.wait_dma2 semaphore(%run_scoped3A : memref<!tpu.dma_semaphore, #tpu.memory_space<semaphore_mem>>) src(%dma_wait3A_48 : memref<16x640xf32, #tpu.memory_space<vmem_shared>>) dst(%arg11 : memref<16x640xf32, #tpu.memory_space<vmem>>)
      tpu.yield
    }) : () -> ()
    %mul3A_26 = arith.constant 640 : i32
    %mul3A_27 = arith.muli %arg1, %mul3A_26 : i32
    "tpu.region"() ({
      %run_scoped3A = tpu.sem_alloc : memref<!tpu.dma_semaphore, #tpu.memory_space<semaphore_mem>>
      %dma_start3A_41 = arith.constant 0 : i32
      %dma_start3A_42 = tpu.memref_slice %arg17[%dma_start3A_41, %mul3A_27] : memref<16x10240xf32, #tpu.memory_space<vmem_shared>> -> memref<16x640xf32, #tpu.memory_space<vmem_shared>>
      %dma_start3A_43 = arith.constant 0 : i32
      %dma_start3A_44 = tpu.memref_slice %arg17[%dma_start3A_43, %mul3A_27] : memref<16x10240xf32, #tpu.memory_space<vmem_shared>> -> memref<16x640xf32, #tpu.memory_space<vmem_shared>>
      tpu.enqueue_dma source(%dma_start3A_44 : memref<16x640xf32, #tpu.memory_space<vmem_shared>>) target(%arg12 : memref<16x640xf32, #tpu.memory_space<vmem>>) target_semaphore(%run_scoped3A : memref<!tpu.dma_semaphore, #tpu.memory_space<semaphore_mem>>)
      %dma_wait3A_45 = arith.constant 0 : i32
      %dma_wait3A_46 = tpu.memref_slice %arg17[%dma_wait3A_45, %mul3A_27] : memref<16x10240xf32, #tpu.memory_space<vmem_shared>> -> memref<16x640xf32, #tpu.memory_space<vmem_shared>>
      %dma_wait3A_47 = arith.constant 0 : i32
      %dma_wait3A_48 = tpu.memref_slice %arg17[%dma_wait3A_47, %mul3A_27] : memref<16x10240xf32, #tpu.memory_space<vmem_shared>> -> memref<16x640xf32, #tpu.memory_space<vmem_shared>>
      tpu.wait_dma2 semaphore(%run_scoped3A : memref<!tpu.dma_semaphore, #tpu.memory_space<semaphore_mem>>) src(%dma_wait3A_48 : memref<16x640xf32, #tpu.memory_space<vmem_shared>>) dst(%arg12 : memref<16x640xf32, #tpu.memory_space<vmem>>)
      tpu.yield
    }) : () -> ()
    %parallel_loop3A_28 = arith.constant 0 : i32
    %parallel_loop3A_29 = arith.constant 40 : i32
    %parallel_loop3A_30 = arith.constant 1 : i32
    scf.for %parallel_loop3A_41 = %parallel_loop3A_28 to %parallel_loop3A_29 step %parallel_loop3A_30  : i32 {
      %parallel_loop3A_42 = arith.constant 16 : i32
      %parallel_loop3A_43 = arith.muli %parallel_loop3A_41, %parallel_loop3A_42 : i32
      %parallel_loop3A_44 = arith.constant 0 : i32
      %parallel_loop3A_45 = arith.index_cast %parallel_loop3A_44 : i32 to index
      %parallel_loop3A_46 = arith.index_cast %parallel_loop3A_43 : i32 to index
      %parallel_loop3A_47 = tpu.vector_load %arg11[%parallel_loop3A_45, %parallel_loop3A_46] {strides = array<i32>} : memref<16x640xf32, #tpu.memory_space<vmem>>, vector<16xf32>,
      %parallel_loop3A_48 = arith.constant 0 : i32
      %parallel_loop3A_49 = arith.index_cast %parallel_loop3A_48 : i32 to index
      %parallel_loop3A_50 = arith.index_cast %parallel_loop3A_43 : i32 to index
      %parallel_loop3A_51 = tpu.vector_load %arg12[%parallel_loop3A_49, %parallel_loop3A_50] {strides = array<i32>} : memref<16x640xf32, #tpu.memory_space<vmem>>, vector<16xf32>,
      %parallel_loop3A_52 = arith.constant 1 : i32
      %parallel_loop3A_53 = arith.index_cast %parallel_loop3A_52 : i32 to index
      %parallel_loop3A_54 = arith.index_cast %parallel_loop3A_43 : i32 to index
      %parallel_loop3A_55 = tpu.vector_load %arg11[%parallel_loop3A_53, %parallel_loop3A_54] {strides = array<i32>} : memref<16x640xf32, #tpu.memory_space<vmem>>, vector<16xf32>,
      %parallel_loop3A_56 = arith.addf %parallel_loop3A_47, %parallel_loop3A_55 : vector<16xf32>
      %parallel_loop3A_57 = arith.constant 1 : i32
      %parallel_loop3A_58 = arith.index_cast %parallel_loop3A_57 : i32 to index
      %parallel_loop3A_59 = arith.index_cast %parallel_loop3A_43 : i32 to index
      %parallel_loop3A_60 = tpu.vector_load %arg12[%parallel_loop3A_58, %parallel_loop3A_59] {strides = array<i32>} : memref<16x640xf32, #tpu.memory_space<vmem>>, vector<16xf32>,
      %parallel_loop3A_61 = arith.addf %parallel_loop3A_51, %parallel_loop3A_60 : vector<16xf32>
      %parallel_loop3A_62 = arith.constant 2 : i32
      %parallel_loop3A_63 = arith.index_cast %parallel_loop3A_62 : i32 to index
      %parallel_loop3A_64 = arith.index_cast %parallel_loop3A_43 : i32 to index
      %parallel_loop3A_65 = tpu.vector_load %arg11[%parallel_loop3A_63, %parallel_loop3A_64] {strides = array<i32>} : memref<16x640xf32, #tpu.memory_space<vmem>>, vector<16xf32>,
      %parallel_loop3A_66 = arith.addf %parallel_loop3A_56, %parallel_loop3A_65 : vector<16xf32>
      %parallel_loop3A_67 = arith.constant 2 : i32
      %parallel_loop3A_68 = arith.index_cast %parallel_loop3A_67 : i32 to index
      %parallel_loop3A_69 = arith.index_cast %parallel_loop3A_43 : i32 to index
      %parallel_loop3A_70 = tpu.vector_load %arg12[%parallel_loop3A_68, %parallel_loop3A_69] {strides = array<i32>} : memref<16x640xf32, #tpu.memory_space<vmem>>, vector<16xf32>,
      %parallel_loop3A_71 = arith.addf %parallel_loop3A_61, %parallel_loop3A_70 : vector<16xf32>
      %parallel_loop3A_72 = arith.constant 3 : i32
      %parallel_loop3A_73 = arith.index_cast %parallel_loop3A_72 : i32 to index
      %parallel_loop3A_74 = arith.index_cast %parallel_loop3A_43 : i32 to index
      %parallel_loop3A_75 = tpu.vector_load %arg11[%parallel_loop3A_73, %parallel_loop3A_74] {strides = array<i32>} : memref<16x640xf32, #tpu.memory_space<vmem>>, vector<16xf32>,
      %parallel_loop3A_76 = arith.addf %parallel_loop3A_66, %parallel_loop3A_75 : vector<16xf32>
      %parallel_loop3A_77 = arith.constant 3 : i32
      %parallel_loop3A_78 = arith.index_cast %parallel_loop3A_77 : i32 to index
      %parallel_loop3A_79 = arith.index_cast %parallel_loop3A_43 : i32 to index
      %parallel_loop3A_80 = tpu.vector_load %arg12[%parallel_loop3A_78, %parallel_loop3A_79] {strides = array<i32>} : memref<16x640xf32, #tpu.memory_space<vmem>>, vector<16xf32>,
      %parallel_loop3A_81 = arith.addf %parallel_loop3A_71, %parallel_loop3A_80 : vector<16xf32>
      %parallel_loop3A_82 = arith.constant 4 : i32
      %parallel_loop3A_83 = arith.index_cast %parallel_loop3A_82 : i32 to index
      %parallel_loop3A_84 = arith.index_cast %parallel_loop3A_43 : i32 to index
      %parallel_loop3A_85 = tpu.vector_load %arg11[%parallel_loop3A_83, %parallel_loop3A_84] {strides = array<i32>} : memref<16x640xf32, #tpu.memory_space<vmem>>, vector<16xf32>,
      %parallel_loop3A_86 = arith.addf %parallel_loop3A_76, %parallel_loop3A_85 : vector<16xf32>
      %parallel_loop3A_87 = arith.constant 4 : i32
      %parallel_loop3A_88 = arith.index_cast %parallel_loop3A_87 : i32 to index
      %parallel_loop3A_89 = arith.index_cast %parallel_loop3A_43 : i32 to index
      %parallel_loop3A_90 = tpu.vector_load %arg12[%parallel_loop3A_88, %parallel_loop3A_89] {strides = array<i32>} : memref<16x640xf32, #tpu.memory_space<vmem>>, vector<16xf32>,
      %parallel_loop3A_91 = arith.addf %parallel_loop3A_81, %parallel_loop3A_90 : vector<16xf32>
      %parallel_loop3A_92 = arith.constant 5 : i32
      %parallel_loop3A_93 = arith.index_cast %parallel_loop3A_92 : i32 to index
      %parallel_loop3A_94 = arith.index_cast %parallel_loop3A_43 : i32 to index
      %parallel_loop3A_95 = tpu.vector_load %arg11[%parallel_loop3A_93, %parallel_loop3A_94] {strides = array<i32>} : memref<16x640xf32, #tpu.memory_space<vmem>>, vector<16xf32>,
      %parallel_loop3A_96 = arith.addf %parallel_loop3A_86, %parallel_loop3A_95 : vector<16xf32>
      %parallel_loop3A_97 = arith.constant 5 : i32
      %parallel_loop3A_98 = arith.index_cast %parallel_loop3A_97 : i32 to index
      %parallel_loop3A_99 = arith.index_cast %parallel_loop3A_43 : i32 to index
      %parallel_loop3A_100 = tpu.vector_load %arg12[%parallel_loop3A_98, %parallel_loop3A_99] {strides = array<i32>} : memref<16x640xf32, #tpu.memory_space<vmem>>, vector<16xf32>,
      %parallel_loop3A_101 = arith.addf %parallel_loop3A_91, %parallel_loop3A_100 : vector<16xf32>
      %parallel_loop3A_102 = arith.constant 6 : i32
      %parallel_loop3A_103 = arith.index_cast %parallel_loop3A_102 : i32 to index
      %parallel_loop3A_104 = arith.index_cast %parallel_loop3A_43 : i32 to index
      %parallel_loop3A_105 = tpu.vector_load %arg11[%parallel_loop3A_103, %parallel_loop3A_104] {strides = array<i32>} : memref<16x640xf32, #tpu.memory_space<vmem>>, vector<16xf32>,
      %parallel_loop3A_106 = arith.addf %parallel_loop3A_96, %parallel_loop3A_105 : vector<16xf32>
      %parallel_loop3A_107 = arith.constant 6 : i32
      %parallel_loop3A_108 = arith.index_cast %parallel_loop3A_107 : i32 to index
      %parallel_loop3A_109 = arith.index_cast %parallel_loop3A_43 : i32 to index
      %parallel_loop3A_110 = tpu.vector_load %arg12[%parallel_loop3A_108, %parallel_loop3A_109] {strides = array<i32>} : memref<16x640xf32, #tpu.memory_space<vmem>>, vector<16xf32>,
      %parallel_loop3A_111 = arith.addf %parallel_loop3A_101, %parallel_loop3A_110 : vector<16xf32>
      %parallel_loop3A_112 = arith.constant 7 : i32
      %parallel_loop3A_113 = arith.index_cast %parallel_loop3A_112 : i32 to index
      %parallel_loop3A_114 = arith.index_cast %parallel_loop3A_43 : i32 to index
      %parallel_loop3A_115 = tpu.vector_load %arg11[%parallel_loop3A_113, %parallel_loop3A_114] {strides = array<i32>} : memref<16x640xf32, #tpu.memory_space<vmem>>, vector<16xf32>,
      %parallel_loop3A_116 = arith.addf %parallel_loop3A_106, %parallel_loop3A_115 : vector<16xf32>
      %parallel_loop3A_117 = arith.constant 7 : i32
      %parallel_loop3A_118 = arith.index_cast %parallel_loop3A_117 : i32 to index
      %parallel_loop3A_119 = arith.index_cast %parallel_loop3A_43 : i32 to index
      %parallel_loop3A_120 = tpu.vector_load %arg12[%parallel_loop3A_118, %parallel_loop3A_119] {strides = array<i32>} : memref<16x640xf32, #tpu.memory_space<vmem>>, vector<16xf32>,
      %parallel_loop3A_121 = arith.addf %parallel_loop3A_111, %parallel_loop3A_120 : vector<16xf32>
      %parallel_loop3A_122 = arith.constant 8 : i32
      %parallel_loop3A_123 = arith.index_cast %parallel_loop3A_122 : i32 to index
      %parallel_loop3A_124 = arith.index_cast %parallel_loop3A_43 : i32 to index
      %parallel_loop3A_125 = tpu.vector_load %arg11[%parallel_loop3A_123, %parallel_loop3A_124] {strides = array<i32>} : memref<16x640xf32, #tpu.memory_space<vmem>>, vector<16xf32>,
      %parallel_loop3A_126 = arith.addf %parallel_loop3A_116, %parallel_loop3A_125 : vector<16xf32>
      %parallel_loop3A_127 = arith.constant 8 : i32
      %parallel_loop3A_128 = arith.index_cast %parallel_loop3A_127 : i32 to index
      %parallel_loop3A_129 = arith.index_cast %parallel_loop3A_43 : i32 to index
      %parallel_loop3A_130 = tpu.vector_load %arg12[%parallel_loop3A_128, %parallel_loop3A_129] {strides = array<i32>} : memref<16x640xf32, #tpu.memory_space<vmem>>, vector<16xf32>,
      %parallel_loop3A_131 = arith.addf %parallel_loop3A_121, %parallel_loop3A_130 : vector<16xf32>
      %parallel_loop3A_132 = arith.constant 9 : i32
      %parallel_loop3A_133 = arith.index_cast %parallel_loop3A_132 : i32 to index
      %parallel_loop3A_134 = arith.index_cast %parallel_loop3A_43 : i32 to index
      %parallel_loop3A_135 = tpu.vector_load %arg11[%parallel_loop3A_133, %parallel_loop3A_134] {strides = array<i32>} : memref<16x640xf32, #tpu.memory_space<vmem>>, vector<16xf32>,
      %parallel_loop3A_136 = arith.addf %parallel_loop3A_126, %parallel_loop3A_135 : vector<16xf32>
      %parallel_loop3A_137 = arith.constant 9 : i32
      %parallel_loop3A_138 = arith.index_cast %parallel_loop3A_137 : i32 to index
      %parallel_loop3A_139 = arith.index_cast %parallel_loop3A_43 : i32 to index
      %parallel_loop3A_140 = tpu.vector_load %arg12[%parallel_loop3A_138, %parallel_loop3A_139] {strides = array<i32>} : memref<16x640xf32, #tpu.memory_space<vmem>>, vector<16xf32>,
      %parallel_loop3A_141 = arith.addf %parallel_loop3A_131, %parallel_loop3A_140 : vector<16xf32>
      %parallel_loop3A_142 = arith.constant 10 : i32
      %parallel_loop3A_143 = arith.index_cast %parallel_loop3A_142 : i32 to index
      %parallel_loop3A_144 = arith.index_cast %parallel_loop3A_43 : i32 to index
      %parallel_loop3A_145 = tpu.vector_load %arg11[%parallel_loop3A_143, %parallel_loop3A_144] {strides = array<i32>} : memref<16x640xf32, #tpu.memory_space<vmem>>, vector<16xf32>,
      %parallel_loop3A_146 = arith.addf %parallel_loop3A_136, %parallel_loop3A_145 : vector<16xf32>
      %parallel_loop3A_147 = arith.constant 10 : i32
      %parallel_loop3A_148 = arith.index_cast %parallel_loop3A_147 : i32 to index
      %parallel_loop3A_149 = arith.index_cast %parallel_loop3A_43 : i32 to index
      %parallel_loop3A_150 = tpu.vector_load %arg12[%parallel_loop3A_148, %parallel_loop3A_149] {strides = array<i32>} : memref<16x640xf32, #tpu.memory_space<vmem>>, vector<16xf32>,
      %parallel_loop3A_151 = arith.addf %parallel_loop3A_141, %parallel_loop3A_150 : vector<16xf32>
      %parallel_loop3A_152 = arith.constant 11 : i32
      %parallel_loop3A_153 = arith.index_cast %parallel_loop3A_152 : i32 to index
      %parallel_loop3A_154 = arith.index_cast %parallel_loop3A_43 : i32 to index
      %parallel_loop3A_155 = tpu.vector_load %arg11[%parallel_loop3A_153, %parallel_loop3A_154] {strides = array<i32>} : memref<16x640xf32, #tpu.memory_space<vmem>>, vector<16xf32>,
      %parallel_loop3A_156 = arith.addf %parallel_loop3A_146, %parallel_loop3A_155 : vector<16xf32>
      %parallel_loop3A_157 = arith.constant 11 : i32
      %parallel_loop3A_158 = arith.index_cast %parallel_loop3A_157 : i32 to index
      %parallel_loop3A_159 = arith.index_cast %parallel_loop3A_43 : i32 to index
      %parallel_loop3A_160 = tpu.vector_load %arg12[%parallel_loop3A_158, %parallel_loop3A_159] {strides = array<i32>} : memref<16x640xf32, #tpu.memory_space<vmem>>, vector<16xf32>,
      %parallel_loop3A_161 = arith.addf %parallel_loop3A_151, %parallel_loop3A_160 : vector<16xf32>
      %parallel_loop3A_162 = arith.constant 12 : i32
      %parallel_loop3A_163 = arith.index_cast %parallel_loop3A_162 : i32 to index
      %parallel_loop3A_164 = arith.index_cast %parallel_loop3A_43 : i32 to index
      %parallel_loop3A_165 = tpu.vector_load %arg11[%parallel_loop3A_163, %parallel_loop3A_164] {strides = array<i32>} : memref<16x640xf32, #tpu.memory_space<vmem>>, vector<16xf32>,
      %parallel_loop3A_166 = arith.addf %parallel_loop3A_156, %parallel_loop3A_165 : vector<16xf32>
      %parallel_loop3A_167 = arith.constant 12 : i32
      %parallel_loop3A_168 = arith.index_cast %parallel_loop3A_167 : i32 to index
      %parallel_loop3A_169 = arith.index_cast %parallel_loop3A_43 : i32 to index
      %parallel_loop3A_170 = tpu.vector_load %arg12[%parallel_loop3A_168, %parallel_loop3A_169] {strides = array<i32>} : memref<16x640xf32, #tpu.memory_space<vmem>>, vector<16xf32>,
      %parallel_loop3A_171 = arith.addf %parallel_loop3A_161, %parallel_loop3A_170 : vector<16xf32>
      %parallel_loop3A_172 = arith.constant 13 : i32
      %parallel_loop3A_173 = arith.index_cast %parallel_loop3A_172 : i32 to index
      %parallel_loop3A_174 = arith.index_cast %parallel_loop3A_43 : i32 to index
      %parallel_loop3A_175 = tpu.vector_load %arg11[%parallel_loop3A_173, %parallel_loop3A_174] {strides = array<i32>} : memref<16x640xf32, #tpu.memory_space<vmem>>, vector<16xf32>,
      %parallel_loop3A_176 = arith.addf %parallel_loop3A_166, %parallel_loop3A_175 : vector<16xf32>
      %parallel_loop3A_177 = arith.constant 13 : i32
      %parallel_loop3A_178 = arith.index_cast %parallel_loop3A_177 : i32 to index
      %parallel_loop3A_179 = arith.index_cast %parallel_loop3A_43 : i32 to index
      %parallel_loop3A_180 = tpu.vector_load %arg12[%parallel_loop3A_178, %parallel_loop3A_179] {strides = array<i32>} : memref<16x640xf32, #tpu.memory_space<vmem>>, vector<16xf32>,
      %parallel_loop3A_181 = arith.addf %parallel_loop3A_171, %parallel_loop3A_180 : vector<16xf32>
      %parallel_loop3A_182 = arith.constant 14 : i32
      %parallel_loop3A_183 = arith.index_cast %parallel_loop3A_182 : i32 to index
      %parallel_loop3A_184 = arith.index_cast %parallel_loop3A_43 : i32 to index
      %parallel_loop3A_185 = tpu.vector_load %arg11[%parallel_loop3A_183, %parallel_loop3A_184] {strides = array<i32>} : memref<16x640xf32, #tpu.memory_space<vmem>>, vector<16xf32>,
      %parallel_loop3A_186 = arith.addf %parallel_loop3A_176, %parallel_loop3A_185 : vector<16xf32>
      %parallel_loop3A_187 = arith.constant 14 : i32
      %parallel_loop3A_188 = arith.index_cast %parallel_loop3A_187 : i32 to index
      %parallel_loop3A_189 = arith.index_cast %parallel_loop3A_43 : i32 to index
      %parallel_loop3A_190 = tpu.vector_load %arg12[%parallel_loop3A_188, %parallel_loop3A_189] {strides = array<i32>} : memref<16x640xf32, #tpu.memory_space<vmem>>, vector<16xf32>,
      %parallel_loop3A_191 = arith.addf %parallel_loop3A_181, %parallel_loop3A_190 : vector<16xf32>
      %parallel_loop3A_192 = arith.constant 15 : i32
      %parallel_loop3A_193 = arith.index_cast %parallel_loop3A_192 : i32 to index
      %parallel_loop3A_194 = arith.index_cast %parallel_loop3A_43 : i32 to index
      %parallel_loop3A_195 = tpu.vector_load %arg11[%parallel_loop3A_193, %parallel_loop3A_194] {strides = array<i32>} : memref<16x640xf32, #tpu.memory_space<vmem>>, vector<16xf32>,
      %parallel_loop3A_196 = arith.addf %parallel_loop3A_186, %parallel_loop3A_195 : vector<16xf32>
      %parallel_loop3A_197 = arith.constant 15 : i32
      %parallel_loop3A_198 = arith.index_cast %parallel_loop3A_197 : i32 to index
      %parallel_loop3A_199 = arith.index_cast %parallel_loop3A_43 : i32 to index
      %parallel_loop3A_200 = tpu.vector_load %arg12[%parallel_loop3A_198, %parallel_loop3A_199] {strides = array<i32>} : memref<16x640xf32, #tpu.memory_space<vmem>>, vector<16xf32>,
      %parallel_loop3A_201 = arith.addf %parallel_loop3A_191, %parallel_loop3A_200 : vector<16xf32>
      %parallel_loop3A_202 = arith.index_cast %parallel_loop3A_43 : i32 to index
      %parallel_loop3A_203 = tpu.vector_load %arg13[%parallel_loop3A_202] {strides = array<i32>} : memref<640xf32, #tpu.memory_space<vmem>>, vector<16xf32>,
      tpu.vector_store %arg13[%parallel_loop3A_202], %parallel_loop3A_196 {strides = array<i32>} : memref<640xf32, #tpu.memory_space<vmem>>, vector<16xf32>,
      %parallel_loop3A_204 = arith.index_cast %parallel_loop3A_43 : i32 to index
      %parallel_loop3A_205 = tpu.vector_load %arg14[%parallel_loop3A_204] {strides = array<i32>} : memref<640xf32, #tpu.memory_space<vmem>>, vector<16xf32>,
      tpu.vector_store %arg14[%parallel_loop3A_204], %parallel_loop3A_201 {strides = array<i32>} : memref<640xf32, #tpu.memory_space<vmem>>, vector<16xf32>,
    } {sc.loop_unroll_factor = 2 : i64, sc.parallel_access}
    %mul3A_31 = arith.constant 10240 : i32
    %mul3A_32 = arith.muli %arg0, %mul3A_31 : i32
    %mul3A_33 = arith.constant 640 : i32
    %mul3A_34 = arith.muli %arg1, %mul3A_33 : i32
    %add3A_35 = arith.addi %mul3A_32, %mul3A_34 : i32
    "tpu.region"() ({
      %run_scoped3A = tpu.sem_alloc : memref<!tpu.dma_semaphore, #tpu.memory_space<semaphore_mem>>
      %dma_start3A_41 = tpu.memref_slice %arg4[%add3A_35] : memref<20480xf32, #tpu.memory_space<hbm>> -> memref<640xf32, #tpu.memory_space<hbm>>
      %dma_start3A_42 = tpu.memref_slice %arg4[%add3A_35] : memref<20480xf32, #tpu.memory_space<hbm>> -> memref<640xf32, #tpu.memory_space<hbm>>
      tpu.enqueue_dma source(%arg13 : memref<640xf32, #tpu.memory_space<vmem>>) target(%dma_start3A_42 : memref<640xf32, #tpu.memory_space<hbm>>) target_semaphore(%run_scoped3A : memref<!tpu.dma_semaphore, #tpu.memory_space<semaphore_mem>>)
      %dma_wait3A_43 = tpu.memref_slice %arg4[%add3A_35] : memref<20480xf32, #tpu.memory_space<hbm>> -> memref<640xf32, #tpu.memory_space<hbm>>
      %dma_wait3A_44 = tpu.memref_slice %arg4[%add3A_35] : memref<20480xf32, #tpu.memory_space<hbm>> -> memref<640xf32, #tpu.memory_space<hbm>>
      tpu.wait_dma2 semaphore(%run_scoped3A : memref<!tpu.dma_semaphore, #tpu.memory_space<semaphore_mem>>) src(%arg13 : memref<640xf32, #tpu.memory_space<vmem>>) dst(%dma_wait3A_44 : memref<640xf32, #tpu.memory_space<hbm>>)
      tpu.yield
    }) : () -> ()
    %mul3A_36 = arith.constant 10240 : i32
    %mul3A_37 = arith.muli %arg0, %mul3A_36 : i32
    %mul3A_38 = arith.constant 640 : i32
    %mul3A_39 = arith.muli %arg1, %mul3A_38 : i32
    %add3A_40 = arith.addi %mul3A_37, %mul3A_39 : i32
    "tpu.region"() ({
      %run_scoped3A = tpu.sem_alloc : memref<!tpu.dma_semaphore, #tpu.memory_space<semaphore_mem>>
      %dma_start3A_41 = tpu.memref_slice %arg5[%add3A_40] : memref<20480xf32, #tpu.memory_space<hbm>> -> memref<640xf32, #tpu.memory_space<hbm>>
      %dma_start3A_42 = tpu.memref_slice %arg5[%add3A_40] : memref<20480xf32, #tpu.memory_space<hbm>> -> memref<640xf32, #tpu.memory_space<hbm>>
      tpu.enqueue_dma source(%arg14 : memref<640xf32, #tpu.memory_space<vmem>>) target(%dma_start3A_42 : memref<640xf32, #tpu.memory_space<hbm>>) target_semaphore(%run_scoped3A : memref<!tpu.dma_semaphore, #tpu.memory_space<semaphore_mem>>)
      %dma_wait3A_43 = tpu.memref_slice %arg5[%add3A_40] : memref<20480xf32, #tpu.memory_space<hbm>> -> memref<640xf32, #tpu.memory_space<hbm>>
      %dma_wait3A_44 = tpu.memref_slice %arg5[%add3A_40] : memref<20480xf32, #tpu.memory_space<hbm>> -> memref<640xf32, #tpu.memory_space<hbm>>
      tpu.wait_dma2 semaphore(%run_scoped3A : memref<!tpu.dma_semaphore, #tpu.memory_space<semaphore_mem>>) src(%arg14 : memref<640xf32, #tpu.memory_space<vmem>>) dst(%dma_wait3A_44 : memref<640xf32, #tpu.memory_space<hbm>>)
      tpu.yield
    }) : () -> ()
    return
  }
}

module attributes {stable_mosaic.version = 14 : i64} {
  func.func @_tc_body(%arg0: memref<10000xf32, #tpu.memory_space<vmem>>, %arg1: memref<20480xf32, #tpu.memory_space<vmem>>, %arg2: memref<20480xf32, #tpu.memory_space<vmem>>, %arg3: memref<1x128xf32, #tpu.memory_space<vmem>>, %arg4: memref<1x128xf32, #tpu.memory_space<vmem>>, %arg5: memref<128x128xf32, #tpu.memory_space<vmem>>, %arg6: memref<128x128xf32, #tpu.memory_space<vmem>>, %arg7: memref<1x128xf32, #tpu.memory_space<vmem>>, %arg8: memref<256x1xf32, #tpu.memory_space<vmem>>, %arg9: memref<1x1xf32, #tpu.memory_space<vmem>>, %arg10: memref<256x1xf32, #tpu.memory_space<vmem>>, %arg11: memref<1x1xf32, #tpu.memory_space<vmem>>, %arg12: memref<10000x1xf32, #tpu.memory_space<vmem>>, %arg13: memref<10000x128xf32, #tpu.memory_space<vmem>>, %arg14: memref<1x1xf32, #tpu.memory_space<vmem>>) attributes {dimension_semantics = [], scalar_prefetch = 0 : i64, scratch_operands = 0 : i64, tpu.core_type = #tpu.core_type<tc>} {
    %get3A = arith.constant 0 : index
    %get3A_0 = arith.constant 0 : index
    %get3A_1 = vector.load %arg3[%get3A, %get3A_0] : memref<1x128xf32, #tpu.memory_space<vmem>>, vector<1x128xf32>
    %get3A_2 = arith.constant 0 : index
    %get3A_3 = arith.constant 0 : index
    %get3A_4 = vector.load %arg4[%get3A_2, %get3A_3] : memref<1x128xf32, #tpu.memory_space<vmem>>, vector<1x128xf32>
    %get3A_5 = arith.constant 0 : index
    %get3A_6 = arith.constant 0 : index
    %get3A_7 = vector.load %arg5[%get3A_5, %get3A_6] : memref<128x128xf32, #tpu.memory_space<vmem>>, vector<128x128xf32>
    %get3A_8 = arith.constant 0 : index
    %get3A_9 = arith.constant 0 : index
    %get3A_10 = vector.load %arg6[%get3A_8, %get3A_9] : memref<128x128xf32, #tpu.memory_space<vmem>>, vector<128x128xf32>
    %dot_general3A = arith.constant dense<0.000000e+00> : vector<1x128xf32>
    %dot_general3A_11 = tpu.matmul %get3A_1, %get3A_7, %dot_general3A {dimension_numbers = #tpu.dot_dimension_numbers<[1], [0], [0], [1], [0, 0, 1, 1], [], []>, transpose_lhs_hint = false} : vector<1x128xf32>, vector<128x128xf32>, vector<1x128xf32> -> vector<1x128xf32>
    %dot_general3A_12 = arith.constant dense<0.000000e+00> : vector<1x128xf32>
    %dot_general3A_13 = tpu.matmul %get3A_1, %get3A_10, %dot_general3A_12 {dimension_numbers = #tpu.dot_dimension_numbers<[1], [0], [0], [1], [0, 0, 1, 1], [], []>, transpose_lhs_hint = false} : vector<1x128xf32>, vector<128x128xf32>, vector<1x128xf32> -> vector<1x128xf32>
    %dot_general3A_14 = arith.constant dense<0.000000e+00> : vector<1x128xf32>
    %dot_general3A_15 = tpu.matmul %get3A_4, %get3A_10, %dot_general3A_14 {dimension_numbers = #tpu.dot_dimension_numbers<[1], [0], [0], [1], [0, 0, 1, 1], [], []>, transpose_lhs_hint = false} : vector<1x128xf32>, vector<128x128xf32>, vector<1x128xf32> -> vector<1x128xf32>
    %dot_general3A_16 = arith.constant dense<0.000000e+00> : vector<1x128xf32>
    %dot_general3A_17 = tpu.matmul %get3A_4, %get3A_7, %dot_general3A_16 {dimension_numbers = #tpu.dot_dimension_numbers<[1], [0], [0], [1], [0, 0, 1, 1], [], []>, transpose_lhs_hint = false} : vector<1x128xf32>, vector<128x128xf32>, vector<1x128xf32> -> vector<1x128xf32>
    %get3A_18 = arith.constant 0 : index
    %get3A_19 = arith.constant 0 : index
    %get3A_20 = vector.load %arg7[%get3A_18, %get3A_19] : memref<1x128xf32, #tpu.memory_space<vmem>>, vector<1x128xf32>
    %add3A = arith.addf %dot_general3A_17, %get3A_20 : vector<1x128xf32>
    %concatenate3A = tpu.concatenate %dot_general3A_11, %dot_general3A_13, %dot_general3A_15, %add3A in 0 : vector<1x128xf32>, vector<1x128xf32>, vector<1x128xf32>, vector<1x128xf32> -> vector<4x128xf32>
    %get3A_21 = arith.constant 0 : index
    %get3A_22 = vector.load %arg0[%get3A_21] : memref<10000xf32, #tpu.memory_space<vmem>>, vector<10000xf32>
    %reshape3A = vector.shape_cast %get3A_22 : vector<10000xf32> to vector<1x10000xf32>
    %get3A_23 = arith.constant 0 : index
    %get3A_24 = vector.load %arg1[%get3A_23] : memref<20480xf32, #tpu.memory_space<vmem>>, vector<20480xf32>
    %get3A_25 = arith.constant 0 : index
    %get3A_26 = vector.load %arg2[%get3A_25] : memref<20480xf32, #tpu.memory_space<vmem>>, vector<20480xf32>
    %slice3A = vector.extract_strided_slice %get3A_24 {offsets = [0], sizes = [10000], strides = [1]} : vector<20480xf32> to vector<10000xf32>
    %slice3A_27 = vector.extract_strided_slice %get3A_24 {offsets = [10240], sizes = [10000], strides = [1]} : vector<20480xf32> to vector<10000xf32>
    %add3A_28 = arith.addf %slice3A, %slice3A_27 : vector<10000xf32>
    %reshape3A_29 = vector.shape_cast %add3A_28 : vector<10000xf32> to vector<1x10000xf32>
    %slice3A_30 = vector.extract_strided_slice %get3A_26 {offsets = [0], sizes = [10000], strides = [1]} : vector<20480xf32> to vector<10000xf32>
    %slice3A_31 = vector.extract_strided_slice %get3A_26 {offsets = [10240], sizes = [10000], strides = [1]} : vector<20480xf32> to vector<10000xf32>
    %add3A_32 = arith.addf %slice3A_30, %slice3A_31 : vector<10000xf32>
    %reshape3A_33 = vector.shape_cast %add3A_32 : vector<10000xf32> to vector<1x10000xf32>
    %max3A = arith.constant 1.000000e+00 : f32
    %max3A_34 = vector.broadcast %max3A : f32 to vector<1x10000xf32>
    %max3A_35 = arith.maximumf %reshape3A_33, %max3A_34 : vector<1x10000xf32>
    %div3A = arith.divf %reshape3A_29, %max3A_35 : vector<1x10000xf32>
    %min3A = arith.constant 1.000000e+00 : f32
    %min3A_36 = vector.broadcast %min3A : f32 to vector<1x10000xf32>
    %min3A_37 = arith.minimumf %reshape3A_33, %min3A_36 : vector<1x10000xf32>
    %broadcast_in_dim3A = arith.constant 1.000000e+00 : f32
    %broadcast_in_dim3A_38 = vector.broadcast %broadcast_in_dim3A : f32 to vector<1x10000xf32>
    %concatenate3A_39 = tpu.concatenate %reshape3A, %div3A, %min3A_37, %broadcast_in_dim3A_38 in 0 : vector<1x10000xf32>, vector<1x10000xf32>, vector<1x10000xf32>, vector<1x10000xf32> -> vector<4x10000xf32>
    %iota3A = tpu.iota {dimensions = array<i32: 0>} : vector<4x4xi32>
    %iota3A_40 = tpu.iota {dimensions = array<i32: 1>} : vector<4x4xi32>
    %add3A_41 = arith.constant 0 : i32
    %add3A_42 = vector.broadcast %add3A_41 : i32 to vector<4x4xi32>
    %add3A_43 = arith.addi %iota3A, %add3A_42 : vector<4x4xi32>
    %eq3A = arith.cmpi eq, %add3A_43, %iota3A_40 : vector<4x4xi32>
    %convert_element_type3A = arith.extui %eq3A : vector<4x4xi1> to vector<4x4xi32>
    %convert_element_type3A_44 = arith.sitofp %convert_element_type3A : vector<4x4xi32> to vector<4x4xf32>
    %dot_general3A_45 = arith.constant dense<0.000000e+00> : vector<10000x4xf32>
    %dot_general3A_46 = tpu.matmul %concatenate3A_39, %convert_element_type3A_44, %dot_general3A_45 {dimension_numbers = #tpu.dot_dimension_numbers<[0], [0], [1], [1], [0, 1, 1, 1], [], []>, transpose_lhs_hint = false} : vector<4x10000xf32>, vector<4x4xf32>, vector<10000x4xf32> -> vector<10000x4xf32>
    %dot_general3A_47 = arith.constant dense<0.000000e+00> : vector<10000x128xf32>
    %dot_general3A_48 = tpu.matmul %dot_general3A_46, %concatenate3A, %dot_general3A_47 {dimension_numbers = #tpu.dot_dimension_numbers<[1], [0], [0], [1], [0, 0, 1, 1], [], []>, transpose_lhs_hint = false} : vector<10000x4xf32>, vector<4x128xf32>, vector<10000x128xf32> -> vector<10000x128xf32>
    %max3A_49 = arith.constant 0.000000e+00 : f32
    %max3A_50 = vector.broadcast %max3A_49 : f32 to vector<10000x128xf32>
    %max3A_51 = arith.maximumf %dot_general3A_48, %max3A_50 : vector<10000x128xf32>
    %swap3A = arith.constant 0 : index
    %swap3A_52 = arith.constant 0 : index
    %swap3A_53 = vector.load %arg13[%swap3A, %swap3A_52] : memref<10000x128xf32, #tpu.memory_space<vmem>>, vector<10000x128xf32>
    tpu.vector_store %arg13[%swap3A, %swap3A_52], %max3A_51 {strides = array<i32>} : memref<10000x128xf32, #tpu.memory_space<vmem>>, vector<10000x128xf32>,
    %get3A_54 = arith.constant 0 : index
    %get3A_55 = arith.constant 0 : index
    %get3A_56 = vector.load %arg8[%get3A_54, %get3A_55] : memref<256x1xf32, #tpu.memory_space<vmem>>, vector<256x1xf32>
    %slice3A_57 = vector.extract_strided_slice %get3A_56 {offsets = [0, 0], sizes = [128, 1], strides = [1, 1]} : vector<256x1xf32> to vector<128x1xf32>
    %slice3A_58 = vector.extract_strided_slice %get3A_56 {offsets = [128, 0], sizes = [128, 1], strides = [1, 1]} : vector<256x1xf32> to vector<128x1xf32>
    %dot_general3A_59 = arith.constant dense<0.000000e+00> : vector<1x1xf32>
    %dot_general3A_60 = tpu.matmul %get3A_1, %slice3A_58, %dot_general3A_59 {dimension_numbers = #tpu.dot_dimension_numbers<[1], [0], [0], [1], [0, 0, 1, 1], [], []>, transpose_lhs_hint = false} : vector<1x128xf32>, vector<128x1xf32>, vector<1x1xf32> -> vector<1x1xf32>
    %dot_general3A_61 = arith.constant dense<0.000000e+00> : vector<1x1xf32>
    %dot_general3A_62 = tpu.matmul %get3A_4, %slice3A_58, %dot_general3A_61 {dimension_numbers = #tpu.dot_dimension_numbers<[1], [0], [0], [1], [0, 0, 1, 1], [], []>, transpose_lhs_hint = false} : vector<1x128xf32>, vector<128x1xf32>, vector<1x1xf32> -> vector<1x1xf32>
    %slice3A_63 = vector.extract_strided_slice %dot_general3A_46 {offsets = [0, 0], sizes = [10000, 1], strides = [1, 1]} : vector<10000x4xf32> to vector<10000x1xf32>
    %dot_general3A_64 = arith.constant dense<0.000000e+00> : vector<10000x1xf32>
    %dot_general3A_65 = tpu.matmul %max3A_51, %slice3A_57, %dot_general3A_64 {dimension_numbers = #tpu.dot_dimension_numbers<[1], [0], [0], [1], [0, 0, 1, 1], [], []>, transpose_lhs_hint = false} : vector<10000x128xf32>, vector<128x1xf32>, vector<10000x1xf32> -> vector<10000x1xf32>
    %mul3A = vector.broadcast %dot_general3A_60 : vector<1x1xf32> to vector<10000x1xf32>
    %mul3A_66 = arith.mulf %slice3A_63, %mul3A : vector<10000x1xf32>
    %add3A_67 = arith.addf %dot_general3A_65, %mul3A_66 : vector<10000x1xf32>
    %add3A_68 = vector.broadcast %dot_general3A_62 : vector<1x1xf32> to vector<10000x1xf32>
    %add3A_69 = arith.addf %add3A_67, %add3A_68 : vector<10000x1xf32>
    %get3A_70 = arith.constant 0 : index
    %get3A_71 = arith.constant 0 : index
    %get3A_72 = vector.load %arg9[%get3A_70, %get3A_71] : memref<1x1xf32, #tpu.memory_space<vmem>>, vector<1x1xf32>
    %add3A_73 = vector.broadcast %get3A_72 : vector<1x1xf32> to vector<10000x1xf32>
    %add3A_74 = arith.addf %add3A_69, %add3A_73 : vector<10000x1xf32>
    %logistic3A = arith.negf %add3A_74 : vector<10000x1xf32>
    %logistic3A_75 = math.exp %logistic3A : vector<10000x1xf32>
    %logistic3A_76 = arith.constant 1.000000e+00 : f32
    %logistic3A_77 = vector.broadcast %logistic3A_76 : f32 to vector<10000x1xf32>
    %logistic3A_78 = arith.addf %logistic3A_77, %logistic3A_75 : vector<10000x1xf32>
    %logistic3A_79 = arith.divf %logistic3A_77, %logistic3A_78 : vector<10000x1xf32>
    %swap3A_80 = arith.constant 0 : index
    %swap3A_81 = arith.constant 0 : index
    %swap3A_82 = vector.load %arg12[%swap3A_80, %swap3A_81] : memref<10000x1xf32, #tpu.memory_space<vmem>>, vector<10000x1xf32>
    tpu.vector_store %arg12[%swap3A_80, %swap3A_81], %logistic3A_79 {strides = array<i32>} : memref<10000x1xf32, #tpu.memory_space<vmem>>, vector<10000x1xf32>,
    %reduce_sum3A = arith.constant dense<0.000000e+00> : vector<128xf32>
    %reduce_sum3A_83 = vector.multi_reduction <add>, %max3A_51, %reduce_sum3A [0] : vector<10000x128xf32> to vector<128xf32>
    %broadcast_in_dim3A_84 = vector.shape_cast %reduce_sum3A_83 : vector<128xf32> to vector<1x128xf32>
    %reduce_max3A = arith.constant dense<0xFF800000> : vector<128xf32>
    %reduce_max3A_85 = vector.multi_reduction <maximumf>, %max3A_51, %reduce_max3A [0] : vector<10000x128xf32> to vector<128xf32>
    %broadcast_in_dim3A_86 = vector.shape_cast %reduce_max3A_85 : vector<128xf32> to vector<1x128xf32>
    %get3A_87 = arith.constant 0 : index
    %get3A_88 = arith.constant 0 : index
    %get3A_89 = vector.load %arg10[%get3A_87, %get3A_88] : memref<256x1xf32, #tpu.memory_space<vmem>>, vector<256x1xf32>
    %slice3A_90 = vector.extract_strided_slice %get3A_89 {offsets = [0, 0], sizes = [128, 1], strides = [1, 1]} : vector<256x1xf32> to vector<128x1xf32>
    %dot_general3A_91 = arith.constant dense<0.000000e+00> : vector<1x1xf32>
    %dot_general3A_92 = tpu.matmul %broadcast_in_dim3A_86, %slice3A_90, %dot_general3A_91 {dimension_numbers = #tpu.dot_dimension_numbers<[1], [0], [0], [1], [0, 0, 1, 1], [], []>, transpose_lhs_hint = false} : vector<1x128xf32>, vector<128x1xf32>, vector<1x1xf32> -> vector<1x1xf32>
    %mul3A_93 = arith.constant 9.99999974E-5 : f32
    %mul3A_94 = vector.broadcast %mul3A_93 : f32 to vector<1x128xf32>
    %mul3A_95 = arith.mulf %broadcast_in_dim3A_84, %mul3A_94 : vector<1x128xf32>
    %slice3A_96 = vector.extract_strided_slice %get3A_89 {offsets = [128, 0], sizes = [128, 1], strides = [1, 1]} : vector<256x1xf32> to vector<128x1xf32>
    %dot_general3A_97 = arith.constant dense<0.000000e+00> : vector<1x1xf32>
    %dot_general3A_98 = tpu.matmul %mul3A_95, %slice3A_96, %dot_general3A_97 {dimension_numbers = #tpu.dot_dimension_numbers<[1], [0], [0], [1], [0, 0, 1, 1], [], []>, transpose_lhs_hint = false} : vector<1x128xf32>, vector<128x1xf32>, vector<1x1xf32> -> vector<1x1xf32>
    %add3A_99 = arith.addf %dot_general3A_92, %dot_general3A_98 : vector<1x1xf32>
    %get3A_100 = arith.constant 0 : index
    %get3A_101 = arith.constant 0 : index
    %get3A_102 = vector.load %arg11[%get3A_100, %get3A_101] : memref<1x1xf32, #tpu.memory_space<vmem>>, vector<1x1xf32>
    %add3A_103 = arith.addf %add3A_99, %get3A_102 : vector<1x1xf32>
    %logistic3A_104 = arith.negf %add3A_103 : vector<1x1xf32>
    %logistic3A_105 = math.exp %logistic3A_104 : vector<1x1xf32>
    %logistic3A_106 = arith.constant 1.000000e+00 : f32
    %logistic3A_107 = vector.broadcast %logistic3A_106 : f32 to vector<1x1xf32>
    %logistic3A_108 = arith.addf %logistic3A_107, %logistic3A_105 : vector<1x1xf32>
    %logistic3A_109 = arith.divf %logistic3A_107, %logistic3A_108 : vector<1x1xf32>
    %swap3A_110 = arith.constant 0 : index
    %swap3A_111 = arith.constant 0 : index
    %swap3A_112 = vector.load %arg14[%swap3A_110, %swap3A_111] : memref<1x1xf32, #tpu.memory_space<vmem>>, vector<1x1xf32>
    tpu.vector_store %arg14[%swap3A_110, %swap3A_111], %logistic3A_109 {strides = array<i32>} : memref<1x1xf32, #tpu.memory_space<vmem>>, vector<1x1xf32>,
    return
  }
}

</mosaic_0001>

<sc_bundles>
// kernel: kernel.4.cloned.1.call-start
scs
__scs_entry_jumppad:
0x0: {  	(pc) =	sbr.rel $0x88, $3  }
0x1: {  	(tag) =	ssettag $0x0;
	lr =	simm.s32 $0x1  }
0x2: {  	[smem:$0x3F96] =	sst lr;
	_ =	strace $0xD0000000  }
0x3: {  	_ = 	snop  }
0x4: {  	_ = 	snop  }
0x5: {  	_ = 	snop  }
0x6: {  	_ = 	snop  }
0x7: {  	_ = 	snop  }
__scs_overlays_trampoline_lowered:
0x8: {  	[smem:$0x3FA5] =	sst s0  }
0x9: {  	[smem:$0x3FA6] =	sst s1  }
0xa: {  	[smem:$0x3FA7] =	sst s2  }
0xb: {  	[smem:$0x3FA8] =	sst s3  }
0xc: {  	[smem:$0x3FA9] =	sst s4  }
0xd: {  	[smem:$0x3FAA] =	sst s5  }
0xe: {  	[smem:$0x3FAB] =	sst s6  }
0xf: {  	[smem:$0x3FAC] =	sst s7  }
0x10: {  	[smem:$0x3FAD] =	sst s8  }
0x11: {  	[smem:$0x3FAE] =	sst s9;
	s0 =	simm.s32 @!p0 $0x0  }
0x12: {  	s1 =	sld [smem:$0x3F94];
	s0 =	simm.s32 @p0 $0x1  }
0x13: {  	[smem:$0x3FAF] =	sst s0;
	s0 =	simm.s32 @!p1 $0x0  }
0x14: {  	s2 =	sld [smem:$0x3F93];
	s0 =	simm.s32 @p1 $0x1  }
0x15: {  	[smem:$0x3FB0] =	sst s0;
	s0 =	simm.s32 @!p2 $0x0  }
0x16: {  	s3 =	sld [smem:$0x3FDB];
	s0 =	simm.s32 @p2 $0x1  }
0x17: {  	s4 =	simm.s32 $0x1BF5;
	[smem:$0x3FB2] =	sst s0  }
0x18: {  	s0 =	sld [smem:$0x3F95];
	_ =	swait.ge [sflag:s4], $0x0  }
0x19: {  	s7 =	sld [smem:$0x3F96]  }
0x1a: {  	s8 =	sadd.s32 $0xFFFFE003, lr  }
0x1b: {  	s9 =	sadd.s32 $0xFFFFFEF7, lr;
	s5 =	simm.s32 $0xFFFFFFFF;
	p2 =	slt.u32 s8, $0xFFFFF086  }
0x1c: {  	p1 =	slt.u32 s9, $0xF7A;
	s5 =	simm.s32 @!p2 $0x0  }
0x1d: {  	s5 =	simm.s32 @p1 $0x1;
	p0 =	seq.s32 s7, s2  }
0x1e: {  	s7 =	smul.u32 @!p0 $0xF7A, s2;
	p2 =	seq.s32 @!p0 s5, $0x0  }
0x1f: {  	s9 =	smul.u32 $0xF7A, s1;
	s8 =	simm.s32 @!p0 $0x1BF5;
	p2 =	por !p2, p0  }
0x20: {  	[sflag:s8] =	ssyncset.s32 @!p0 $0xFFFFF086;
	s6 =	sadd.s32 @!p0 s3, s7;
	s7 =	simm.s32 @!p0 $0x108  }
0x21: {  	s3 =	sadd.s32 s3, s9;
	s6 =	sadd.s32 @!p0 $0x88, s6;
	s7 =	simm.s32 @p2 $0x1082  }
0x22: {  	[simem:s7], [sflag:s8] =	dma.local @!p0 [hbm:s6], $0xF7A  }
0x23: {  	s9 =	sor.u32 $0xD0000000, s2;
	s6 =	simm.s32 $0x108;
	_ =	swait.ge @!p0 [sflag:s8], $0x0  }
0x24: {  	s3 =	sadd.s32 $0x88, s3;
	s6 =	simm.s32 @!p1 $0x1082;
	[sflag:s4] =	ssyncset.s32 $0xFFFFF086  }
0x25: {  	[simem:s6], [sflag:s4] =	dma.local [hbm:s3], $0xF7A  }
0x26: {  	[smem:$0x3F96] =	sst s1;
	(tag) =	ssettag s2;
	_ =	strace s9  }
0x27: {  	s1 =	sld [smem:$0x3FA6]  }
0x28: {  	s2 =	sld [smem:$0x3FA7]  }
0x29: {  	s4 =	sld [smem:$0x3FA9]  }
0x2a: {  	p0 =	seq.s32 s5, $0x0;
	s5 =	sld [smem:$0x3FAA]  }
0x2b: {  	s6 =	sld [smem:$0x3FAB]  }
0x2c: {  	s7 =	sld [smem:$0x3FAC]  }
0x2d: {  	s3 =	simm.s32 $0x108;
	s8 =	sld [smem:$0x3FAD]  }
0x2e: {  	s3 =	simm.s32 @!p0 $0x1082;
	s9 =	sld [smem:$0x3FAE]  }
0x2f: {  	lr =	sadd.s32 s0, s3;
	s0 =	sld [smem:$0x3FA5]  }
0x30: {  	s3 =	sld [smem:$0x3FA8]  }
0x31: {  	[smem:$0x3FB1] =	sst s10  }
0x32: {  	s10 =	sld [smem:$0x3FAF];
	_ =	sdelay $0x3  }
0x33: {  	p0 =	seq.s32 s10, $0x1;
	s10 =	sld [smem:$0x3FB1];
	_ =	sdelay $0x3  }
0x34: {  	[smem:$0x3FB1] =	sst s10  }
0x35: {  	s10 =	sld [smem:$0x3FB0];
	_ =	sdelay $0x3  }
0x36: {  	p1 =	seq.s32 s10, $0x1;
	s10 =	sld [smem:$0x3FB1];
	_ =	sdelay $0x3  }
0x37: {  	[smem:$0x3FB1] =	sst s10  }
0x38: {  	s10 =	sld [smem:$0x3FB2]  }
0x39: {  	_ = 	snop;
	(pc) =	sbr.ind lr, $3  }
0x3a: {  	_ = 	snop  }
0x3b: {  	_ = 	snop  }
0x3c: {  	p2 =	seq.s32 s10, $0x1;
	s10 =	sld [smem:$0x3FB1]  }
0x3d: {  	_ =	shalt  }
0x3e: {  	_ =	shalt  }
0x3f: {  	_ =	shalt  }
0x40: {  	_ =	shalt  }
0x41: {  	_ =	shalt  }
0x42: {  	_ =	shalt  }
0x43: {  	_ =	shalt  }
0x44: {  	_ =	shalt  }
0x45: {  	_ =	shalt  }
0x46: {  	_ =	shalt  }
0x47: {  	_ =	shalt  }
0x48: {  	_ =	shalt  }
0x49: {  	_ =	shalt  }
0x4a: {  	_ =	shalt  }
0x4b: {  	_ =	shalt  }
0x4c: {  	_ =	shalt  }
0x4d: {  	_ =	shalt  }
0x4e: {  	_ =	shalt  }
0x4f: {  	_ =	shalt  }
0x50: {  	_ =	shalt  }
0x51: {  	_ =	shalt  }
0x52: {  	_ =	shalt  }
0x53: {  	_ =	shalt  }
0x54: {  	_ =	shalt  }
0x55: {  	_ =	shalt  }
0x56: {  	_ =	shalt  }
0x57: {  	_ =	shalt  }
0x58: {  	_ =	shalt  }
0x59: {  	_ =	shalt  }
0x5a: {  	_ =	shalt  }
0x5b: {  	_ =	shalt  }
0x5c: {  	_ =	shalt  }
0x5d: {  	_ =	shalt  }
0x5e: {  	_ =	shalt  }
0x5f: {  	_ =	shalt  }
0x60: {  	_ =	shalt  }
0x61: {  	_ =	shalt  }
0x62: {  	_ =	shalt  }
0x63: {  	_ =	shalt  }
0x64: {  	_ =	shalt  }
0x65: {  	_ =	shalt  }
0x66: {  	_ =	shalt  }
0x67: {  	_ =	shalt  }
0x68: {  	_ =	shalt  }
0x69: {  	_ =	shalt  }
0x6a: {  	_ =	shalt  }
0x6b: {  	_ =	shalt  }
0x6c: {  	_ =	shalt  }
0x6d: {  	_ =	shalt  }
0x6e: {  	_ =	shalt  }
0x6f: {  	_ =	shalt  }
0x70: {  	_ =	shalt  }
0x71: {  	_ =	shalt  }
0x72: {  	_ =	shalt  }
0x73: {  	_ =	shalt  }
0x74: {  	_ =	shalt  }
0x75: {  	_ =	shalt  }
0x76: {  	_ =	shalt  }
0x77: {  	_ =	shalt  }
0x78: {  	_ =	shalt  }
0x79: {  	_ =	shalt  }
0x7a: {  	_ =	shalt  }
0x7b: {  	_ =	shalt  }
0x7c: {  	_ =	shalt  }
0x7d: {  	_ =	shalt  }
0x7e: {  	_ =	shalt  }
0x7f: {  	_ =	shalt  }
0x80: {  	_ =	shalt  }
0x81: {  	_ =	shalt  }
0x82: {  	_ =	shalt  }
0x83: {  	_ =	shalt  }
0x84: {  	_ =	shalt  }
0x85: {  	_ =	shalt  }
0x86: {  	_ =	shalt  }
0x87: {  	_ =	shalt  }
.Lfunc_end0:
.L_simem_size_0:
called_computation_lowered:
.L_overlay_start_0:
0x88: {  	s2 =	sld [smem:$0x3FD9]  }
0x89: {  	s3 =	sld [smem:$0x3FFE];
	_ =	sdelay $0x1  }
0x8a: {  	s1 =	srdreg.scid  }
0x8b: {  	s0 =	sand.u32 $0x1, s1  }
0x8c: {  	s14 =	sshll.u32 s0, $0xA;
	s2 =	sadd.s32 s3, s2  }
0x8d: {  	s2 =	sadd.s32 s2, s14  }
0x8e: {  	[smem:$0x3FBD] =	sst s2  }
0x8f: {  	_ = 	snop  }
0x90: {  	s2 =	sld [smem:$0x3FD0];
	_ =	sdelay $0x2  }
0x91: {  	s4 =	simm.s32 $0xA;
	s5 =	simm.s32 $0x10;
	s15 =	sld [smem:$0x3FC8]  }
0x92: {  	[smem:s5], [sflag:s4] =	dma.local [hbm:s2], $0x1  }
0x93: {  	_ =	swait.eq [sflag:s4], $0x1  }
0x94: {  	[sflag:s4] =	ssyncset.done $0x0  }
0x95: {  	[sflag:s4] =	ssyncadd.s32 $0xFFFFFFFF  }
0x96: {  	s16 =	sld [smem:$0x11];
	(tm) =	ssettm $0x1  }
0x97: {  	s17 =	sld [smem:$0x3FFB];
	_ =	sdelay $0x3  }
0x98: {  	_ =	strace s17  }
0x99: {  	s4 =	sld [smem:$0x3FFC];
	_ =	sdelay $0x3  }
0x9a: {  	_ =	strace s4  }
0x9b: {  	s4 =	sld [smem:$0x3FFD];
	_ =	sdelay $0x3  }
0x9c: {  	_ =	strace s4  }
0x9d: {  	_ =	strace $0x8FFFFFFF  }
0x9e: {  	s18 =	sld [smem:$0x3FDB];
	_ =	sdelay $0x1  }
0x9f: {  	s19 =	simm.s32 $_scs_section_size  }
0xa0: {  	s6 =	simm.s32 $_size__tile_overlayer_lowered;
	s7 =	simm.s32 $_tile_overlayer_lowered  }
0xa1: {  	s22 =	simm.s32 $0x1BFF;
	s21 =	sshll.u32 s7, $0x1;
	s4 =	sadd.s32 s19, s18  }
0xa2: {  	s8 =	simm.s32 $0x0;
	s20 =	sshll.u32 s6, $0x1;
	s6 =	sadd.s32 s21, s4  }
0xa3: {  	[timem:s8], [sflag:s22] =	dma.local [hbm:s6], s20  }
0xa4: {  	_ =	swait.ge [sflag:s22], s20  }
0xa5: {  	s5 =	ssub.s32 $0x0, s20;
	[sflag:s22] =	ssyncset.done $0x0  }
0xa6: {  	[sflag:s22] =	ssyncadd.s32 s5;
	_ =	sdelay $0x1  }
0xa7: {  	s23 =	simm.s32 $0x1B8B  }
0xa8: {  	_ =	swait.ge [sflag:s23], $0x1  }
0xa9: {  	[sflag:s23] =	ssyncset.done $0x0  }
0xaa: {  	s25 =	simm.s32 $0x1B8E;
	s24 =	sld [smem:$0x3FFE];
	[sflag:s23] =	ssyncadd.s32 $0xFFFFFFFF  }
0xab: {  	s26 =	simm.s32 $execute0_lowered;
	[smem:$0x3FD2] =	sst s25  }
0xac: {  	s6 =	sshll.u32 s26, $0x1;
	_ =	strace $0x80000046;
	[dreg:$0x1] =	wrdreg $0xFFFFFFFF  }
0xad: {  	s28 =	simm.s32 $_size_execute0_lowered;
	s4 =	sadd.s32 s4, s6;
	[dreg:$0x0] =	wrdreg $0x0  }
0xae: {  	s6 =	sshll.u32 s28, $0x1;
	[dreg:$0x2] =	wrdreg s4  }
0xaf: {  	[dreg:$0x3] =	wrdreg s6  }
0xb0: {  	[dreg:$0x4] =	wrdreg $0xC0  }
0xb1: {  	_ =	task [dreg:s8], $0x5FFFF  }
0xb2: {  	[dreg:$0x1] =	wrdreg $0xFFFFFFFF  }
0xb3: {  	[dreg:$0x0] =	wrdreg $0x60  }
0xb4: {  	[dreg:$0x2] =	wrdreg s24  }
0xb5: {  	[dreg:$0x3] =	wrdreg s15  }
0xb6: {  	[dreg:$0x4] =	wrdreg s16  }
0xb7: {  	[dreg:$0x5] =	wrdreg $0x11B800  }
0xb8: {  	[dreg:$0x6] =	wrdreg $0x143800  }
0xb9: {  	[dreg:$0x7] =	wrdreg $0x9  }
0xba: {  	_ =	task.clear_ibuf [dreg:s8], $0x8FFFF;
	_ =	strace $0x90000046  }
0xbb: {  	s29 =	simm.s32 $0x9;
	_ =	strace $0x80000048  }
0xbc: {  	_ =	swait.ge [sflag:s29], $0x1  }
0xbd: {  	[sflag:s29] =	ssyncadd.s32 $0xFFFFFFFF  }
0xbe: {  	_ =	strace $0x90000048  }
0xbf: {  	_ =	sfence  }
0xc0: {  	s30 =	sld [smem:$0x0];
	_ =	sdelay $0x2  }
0xc1: {  	s31 =	sshll.u32 s1, $0xD;
	s1 =	sshrl.u32 s1, $0x2  }
0xc2: {  	s3 =	sand.u32 $0x4000, s31;
	s1 =	sadd.s32 s1, s30  }
0xc3: {  	s0 =	sor.u32 s3, s0;
	s1 =	sshll.u32 s1, $0x11  }
0xc4: {  	s0 =	sor.u32 s1, s0  }
0xc5: {  	s0 =	sadd.s32 $0x8F2B, s0  }
0xc6: {  	[sflag:s0] =	ssyncadd.remote.s32 $0x1  }
0xc7: {  	_ =	sfence.sel $0xFFFF  }
0xc8: {  	[dreg:$0x0] =	wrdreg $0xFFFFFFFF;
	(pc) =	sbr.abs _section_cstart, $3  }
0xc9: {  	[dreg:$0x1] =	wrdreg $0xFFFFFFFF  }
0xca: {  	_ =	task.clear_ibuf [dreg:s8], $0x2FFFF;
	_ =	strace $0x9FFFFFFF  }
0xcb: {  	(tm) =	ssettm $0x7FFFFFFF  }
tec
execute0_lowered:
.L_overlay_start_1:
0x0: {  	(tag) =	ssettag $0x1  }
0x1: {  	s0 =	rddreg [dreg:$0x0]  }
0x2: {  	s1 =	rddreg [dreg:$0x1]  }
0x3: {  	s3 =	rddreg [dreg:$0x2]  }
0x4: {  	s2 =	srdreg.scid;
	s4 =	rddreg [dreg:$0x3]  }
0x5: {  	s12 =	stileid.u32;
	s7 =	rddreg [dreg:$0x4]  }
0x6: {  	s15 =	simm.s32 $0x7680;
	s16 =	simm.s32 $0x9E80;
	s5 =	sand.u32 $0x1, s2  }
0x7: {  	s6 =	smul.u32 $0x280, s12;
	s2 =	simm.s32 $0x0;
	s9 =	sadd.s32 $0x1800, s0  }
0x8: {  	s20 =	sshll.u32 s12, $0x1;
	s10 =	sshrl.u32 s12, $0x3;
	s23 =	smul.u32 $0x1400, s12  }
0x9: {  	s22 =	sshll.u32 s12, $0x7;
	s8 =	smul.u32 $0x2800, s5;
	[smem:$0x7FF] =	sst s2  }
0xa: {  	s18 =	ssub.s32 $0x2, s5;
	s5 =	sor.u32 s5, s20;
	s21 =	smul.u32 $0x14000, s10  }
0xb: {  	s10 =	sand.u32 $0x380, s22;
	_ =	strace $0x80000047;
	[dreg:$0x6] =	wrdreg s9  }
0xc: {  	s19 =	sshrl.u32 s18, $0x1;
	s11 =	smul.u32 $0x9C0, s5;
	s28 =	sadd.s32 s23, s4  }
0xd: {  	s5 =	sshll.u32 s5, $0x5;
	s29 =	sadd.s32 s23, s7;
	[dreg:$0xb] =	wrdreg s28  }
0xe: {  	s5 =	sadd.s32 s5, s1;
	[dreg:$0xc] =	wrdreg s29;
	s1 =	sadd.s32 s1, s11  }
0xf: {  	s9 =	sor.u32 s10, s21;
	s24 =	sadd.s32 $0x13800, s5;
	[dreg:$0x7] =	wrdreg s1  }
0x10: {  	s6 =	sadd.s32 s6, s8;
	s25 =	sadd.s32 s9, s4;
	[dreg:$0x8] =	wrdreg s24  }
0x11: {  	s8 =	ssub.s32 s18, s19;
	s26 =	sadd.s32 s9, s7;
	[dreg:$0x9] =	wrdreg s25  }
0x12: {  	s6 =	sshrl.u32 s6, $0x3;
	s31 =	smax.u32 s8, $0x1;
	[dreg:$0xa] =	wrdreg s26  }
0x13: {  	s0 =	sadd.s32 s6, s0;
	s30 =	sadd.s32 s3, s6;
	[dreg:$0xf] =	wrdreg s31  }
0x14: {  	p0 =	sgt.u32 s12, $0x1;
	[dreg:$0xd] =	wrdreg s30;
	s0 =	sadd.s32 $0x1E00, s0  }
0x15: {  	v0 =	vimm.f32 $0.0e+00;
	v1 =	vimm.f32 $1.000000000e+00;
	s4 =	simm.s32 $0x2;
	s1 =	simm.s32 $0x0;
	[dreg:$0xe] =	wrdreg s0  }
.LBB2_1:
0x16: {  	[dreg:$0x10] =	wrdreg s1  }
0x17: {  	s0 =	rddreg [dreg:$0x6]  }
0x18: {  	[tilespmem:s2], [sflag:$0x1] =	stream.linear.gather [hbm4b:s0+s2], $0x2780, $0x38;
	[tilespmem:$0x16B80] =	vst v63  }
0x19: {  	s30 =	rddreg [dreg:$0x7];
	s31 =	simm.s32 $0x2780  }
0x1a: {  	[tilespmem:s31], [sflag:$0x1] =	stream.linear.gather [hbm4b:s30+s2], $0x4E00, $0x38;
	[tilespmem:$0x16B80] =	vst v63  }
0x1b: {  	s1 =	simm.s32 @!p0 $0x7580;
	s3 =	rddreg [dreg:$0x8];
	s0 =	simm.s32 @!p0 $0x0  }
0x1c: {  	[tilespmem:s1], [sflag:$0x2] =	stream.linear.gather @!p0 [hbm4b:s3+s0], $0x100, $0x38;
	[tilespmem:$0x16B80] =	vst v63  }
0x1d: {  	s0 =	simm.s32 @!p0 $0x2  }
0x1e: {  	_ =	swait.ge @!p0 [sflag:s0], $0x100  }
0x1f: {  	[sflag:s0] =	ssyncset.done @!p0 $0x0  }
0x20: {  	[sflag:s0] =	ssyncadd.s32 @!p0 $0xFFFFFF00;
	s0 =	simm.s32 $0x76C0  }
0x21: {  	[tilespmem:s0+$0x30] =	vst v0  }
0x22: {  	[tilespmem:s0+$0xFFFFFFF0] =	vst v0  }
0x23: {  	[tilespmem:s0+$0xFFFFFFC0] =	vst v0  }
0x24: {  	[tilespmem:s0+$0xFFFFFFE0] =	vst v0  }
0x25: {  	[tilespmem:s0+$0x10] =	vst v0  }
0x26: {  	[tilespmem:s0+$0x20] =	vst v0  }
0x27: {  	[tilespmem:s0+$0x0] =	vst v0  }
0x28: {  	s1 =	simm.s32 $0x9EC0;
	[tilespmem:s0+$0xFFFFFFD0] =	vst v0  }
0x29: {  	[tilespmem:s1+$0xFFFFFFC0] =	vst v0  }
0x2a: {  	[tilespmem:s1+$0x30] =	vst v0  }
0x2b: {  	[tilespmem:s1+$0x20] =	vst v0  }
0x2c: {  	[tilespmem:s1+$0x10] =	vst v0  }
0x2d: {  	[tilespmem:s1+$0xFFFFFFE0] =	vst v0  }
0x2e: {  	[tilespmem:s1+$0x0] =	vst v0  }
0x2f: {  	s3 =	simm.s32 $0x0;
	[tilespmem:s1+$0xFFFFFFF0] =	vst v0  }
.LBB2_2:
0x30: {  	s3 =	sadd.s32 $0x8, s3;
	[tilespmem:s1+$0xFFFFFFD0] =	vst v0;
	s0 =	sadd.s32 $0x80, s0;
	s1 =	sadd.s32 $0x80, s1  }
0x31: {  	[tilespmem:s0+$0x30] =	vst v0;
	p1 =	slt.u32 s3, $0x278  }
0x32: {  	[tilespmem:s0+$0xFFFFFFF0] =	vst v0  }
0x33: {  	[tilespmem:s0+$0xFFFFFFC0] =	vst v0  }
0x34: {  	[tilespmem:s1+$0xFFFFFFC0] =	vst v0  }
0x35: {  	[tilespmem:s1+$0x30] =	vst v0  }
0x36: {  	[tilespmem:s0+$0xFFFFFFE0] =	vst v0  }
0x37: {  	[tilespmem:s0+$0x10] =	vst v0  }
0x38: {  	[tilespmem:s0+$0x20] =	vst v0  }
0x39: {  	[tilespmem:s1+$0x20] =	vst v0  }
0x3a: {  	[tilespmem:s1+$0x10] =	vst v0  }
.Ltmp0:
0x3b: {  	[tilespmem:s1+$0xFFFFFFE0] =	vst v0;
	(pc) =	sbr.rel @p1 .LBB2_2-.Ltmp0, $4  }
0x3c: {  	[tilespmem:s0+$0x0] =	vst v0  }
0x3d: {  	[tilespmem:s1+$0x0] =	vst v0  }
0x3e: {  	[tilespmem:s1+$0xFFFFFFF0] =	vst v0  }
0x3f: {  	[tilespmem:s0+$0xFFFFFFD0] =	vst v0  }
0x40: {  	[tilespmem:s1+$0xFFFFFFD0] =	vst v0;
	s0 =	simm.s32 $0x1  }
0x41: {  	_ =	swait.ge [sflag:s0], $0x2780  }
0x42: {  	[sflag:s0] =	ssyncset.done $0x0  }
0x43: {  	[sflag:s0] =	ssyncadd.s32 $0xFFFFD880  }
0x44: {  	_ =	swait.ge [sflag:s0], $0x4E00  }
0x45: {  	[sflag:s0] =	ssyncset.done $0x0  }
0x46: {  	s31 =	simm.s32 $0x2800;
	[sflag:s0] =	ssyncadd.s32 $0xFFFFB200  }
0x47: {  	v2 =	vld [tilespmem:s31+$0xFFFFFFF0]  }
0x48: {  	v3 =	vld [tilespmem:s31+$0xFFFFFF90]  }
0x49: {  	v4 =	vld [tilespmem:s31+$0xFFFFFFA0]  }
0x4a: {  	v5 =	vld [tilespmem:s31+$0xFFFFFFB0]  }
0x4b: {  	v6 =	vld [tilespmem:s31+$0xFFFFFFC0]  }
0x4c: {  	v7 =	vld [tilespmem:s31+$0xFFFFFFD0]  }
0x4d: {  	v8 =	vld [tilespmem:s31+$0x70]  }
0x4e: {  	v9 =	vld [tilespmem:s31+$0xFFFFFFE0]  }
0x4f: {  	v10 =	vld [tilespmem:s31+$0xFFFFFF80]  }
0x50: {  	v63 =	vld [tilespmem:s31+$0x0]  }
0x51: {  	v11 =	vld [tilespmem:s31+$0x10]  }
0x52: {  	v12 =	vld [tilespmem:s31+$0x20]  }
0x53: {  	v13 =	vld [tilespmem:s31+$0x30]  }
0x54: {  	v14 =	vld [tilespmem:s31+$0x40]  }
0x55: {  	v15 =	vld [tilespmem:s31+$0x50]  }
0x56: {  	v2 =	vld.idx.msk [tilespmem:v2+s2+$0x0], $0xffff  }
0x57: {  	v3 =	vld.idx.msk [tilespmem:v3+s2+$0x0], $0xffff  }
0x58: {  	v4 =	vld.idx.msk [tilespmem:v4+s2+$0x0], $0xffff  }
0x59: {  	v5 =	vld.idx.msk [tilespmem:v5+s2+$0x0], $0xffff  }
0x5a: {  	v6 =	vld.idx.msk [tilespmem:v6+s2+$0x0], $0xffff  }
0x5b: {  	v62 =	vld.idx.msk [tilespmem:v10+s2+$0x0], $0xffff  }
0x5c: {  	v7 =	vld.idx.msk [tilespmem:v7+s2+$0x0], $0xffff  }
0x5d: {  	v9 =	vld.idx.msk [tilespmem:v9+s2+$0x0], $0xffff  }
0x5e: {  	[tilespmem:v8+s15+$0x0] =	vst.idx.add.f32.msk $0xffff, v2  }
0x5f: {  	v2 =	vld [tilespmem:s31+$0x60]  }
0x60: {  	[tilespmem:v63+s15+$0x0] =	vst.idx.add.f32.msk $0xffff, v62  }
0x61: {  	[tilespmem:v11+s15+$0x0] =	vst.idx.add.f32.msk $0xffff, v3  }
0x62: {  	[tilespmem:v12+s15+$0x0] =	vst.idx.add.f32.msk $0xffff, v4  }
0x63: {  	[tilespmem:v13+s15+$0x0] =	vst.idx.add.f32.msk $0xffff, v5  }
0x64: {  	[tilespmem:v14+s15+$0x0] =	vst.idx.add.f32.msk $0xffff, v6  }
0x65: {  	[tilespmem:v15+s15+$0x0] =	vst.idx.add.f32.msk $0xffff, v7  }
0x66: {  	[tilespmem:v8+s16+$0x0] =	vst.idx.add.f32.msk $0xffff, v1  }
0x67: {  	[tilespmem:v63+s16+$0x0] =	vst.idx.add.f32.msk $0xffff, v1  }
0x68: {  	[tilespmem:v11+s16+$0x0] =	vst.idx.add.f32.msk $0xffff, v1  }
0x69: {  	[tilespmem:v12+s16+$0x0] =	vst.idx.add.f32.msk $0xffff, v1  }
0x6a: {  	[tilespmem:v13+s16+$0x0] =	vst.idx.add.f32.msk $0xffff, v1  }
0x6b: {  	[tilespmem:v14+s16+$0x0] =	vst.idx.add.f32.msk $0xffff, v1  }
0x6c: {  	[tilespmem:v15+s16+$0x0] =	vst.idx.add.f32.msk $0xffff, v1  }
0x6d: {  	s1 =	simm.s32 $0x2900;
	s0 =	simm.s32 $0x0;
	[tilespmem:v2+s15+$0x0] =	vst.idx.add.f32.msk $0xffff, v9  }
.LBB2_4:
0x6e: {  	v3 =	vld [tilespmem:s1+$0xFFFFFFF0]  }
0x6f: {  	s0 =	sadd.s32 $0x8, s0;
	v4 =	vld [tilespmem:s1+$0xFFFFFF90]  }
0x70: {  	p1 =	slt.u32 s0, $0x268;
	v5 =	vld [tilespmem:s1+$0xFFFFFFA0]  }
0x71: {  	v6 =	vld [tilespmem:s1+$0xFFFFFFB0]  }
0x72: {  	v7 =	vld [tilespmem:s1+$0xFFFFFFC0]  }
0x73: {  	v8 =	vld [tilespmem:s1+$0xFFFFFFD0]  }
0x74: {  	v9 =	vld [tilespmem:s1+$0x70]  }
0x75: {  	v10 =	vld [tilespmem:s1+$0xFFFFFFE0]  }
0x76: {  	v3 =	vld.idx.msk [tilespmem:v3+s2+$0x0], $0xffff  }
0x77: {  	v11 =	vld [tilespmem:s1+$0xFFFFFF80]  }
0x78: {  	v4 =	vld.idx.msk [tilespmem:v4+s2+$0x0], $0xffff  }
0x79: {  	v5 =	vld.idx.msk [tilespmem:v5+s2+$0x0], $0xffff  }
0x7a: {  	v6 =	vld.idx.msk [tilespmem:v6+s2+$0x0], $0xffff  }
0x7b: {  	v7 =	vld.idx.msk [tilespmem:v7+s2+$0x0], $0xffff  }
0x7c: {  	[tilespmem:v9+s15+$0x0] =	vst.idx.add.f32.msk $0xffff, v3  }
0x7d: {  	[tilespmem:v9+s16+$0x0] =	vst.idx.add.f32.msk $0xffff, v1  }
0x7e: {  	v3 =	vld.idx.msk [tilespmem:v8+s2+$0x0], $0xffff  }
0x7f: {  	v8 =	vld.idx.msk [tilespmem:v11+s2+$0x0], $0xffff  }
0x80: {  	v9 =	vld.idx.msk [tilespmem:v10+s2+$0x0], $0xffff  }
0x81: {  	v10 =	vld [tilespmem:s1+$0x0]  }
0x82: {  	v11 =	vld [tilespmem:s1+$0x10]  }
0x83: {  	v12 =	vld [tilespmem:s1+$0x20]  }
0x84: {  	v13 =	vld [tilespmem:s1+$0x30]  }
0x85: {  	v14 =	vld [tilespmem:s1+$0x40]  }
0x86: {  	v15 =	vld [tilespmem:s1+$0x50]  }
0x87: {  	v16 =	vld [tilespmem:s1+$0x60]  }
0x88: {  	[tilespmem:v2+s16+$0x0] =	vst.idx.add.f32.msk $0xffff, v1  }
0x89: {  	[tilespmem:v10+s15+$0x0] =	vst.idx.add.f32.msk $0xffff, v8  }
0x8a: {  	[tilespmem:v10+s16+$0x0] =	vst.idx.add.f32.msk $0xffff, v1  }
0x8b: {  	[tilespmem:v11+s15+$0x0] =	vst.idx.add.f32.msk $0xffff, v4  }
0x8c: {  	[tilespmem:v11+s16+$0x0] =	vst.idx.add.f32.msk $0xffff, v1;
	v2 =	vmov v16  }
0x8d: {  	[tilespmem:v12+s15+$0x0] =	vst.idx.add.f32.msk $0xffff, v5  }
0x8e: {  	[tilespmem:v12+s16+$0x0] =	vst.idx.add.f32.msk $0xffff, v1  }
0x8f: {  	[tilespmem:v13+s15+$0x0] =	vst.idx.add.f32.msk $0xffff, v6  }
0x90: {  	[tilespmem:v13+s16+$0x0] =	vst.idx.add.f32.msk $0xffff, v1  }
.Ltmp1:
0x91: {  	[tilespmem:v14+s15+$0x0] =	vst.idx.add.f32.msk $0xffff, v7;
	(pc) =	sbr.rel @p1 .LBB2_4-.Ltmp1, $4  }
0x92: {  	[tilespmem:v14+s16+$0x0] =	vst.idx.add.f32.msk $0xffff, v1  }
0x93: {  	[tilespmem:v15+s15+$0x0] =	vst.idx.add.f32.msk $0xffff, v3  }
0x94: {  	[tilespmem:v15+s16+$0x0] =	vst.idx.add.f32.msk $0xffff, v1  }
0x95: {  	s1 =	sadd.s32 $0x100, s1;
	[tilespmem:v16+s15+$0x0] =	vst.idx.add.f32.msk $0xffff, v9  }
0x96: {  	_ =	sdelay $0x3  }
0x97: {  	[tilespmem:v2+s16+$0x0] =	vst.idx.add.f32.msk $0xffff, v1  }
0x98: {  	v2 =	vld @!p0 [tilespmem:$0x7580];
	_ =	sdelay $0x4  }
0x99: {  	v3 =	vld @!p0 [tilespmem:$0x7600];
	_ =	sdelay $0x1  }
0x9a: {  	s0 =	simm.s32 @!p0 $0x0  }
0x9b: {  	v2 =	vld.idx.msk @!p0 [tilespmem:v2+s0+$0x0], $0xffff;
	_ =	sdelay $0x3  }
0x9c: {  	s1 =	simm.s32 @!p0 $0x7680  }
0x9d: {  	s3 =	simm.s32 @!p0 $0x9E80;
	[tilespmem:v3+s1+$0x0] =	vst.idx.add.f32.msk @!p0 $0xffff, v2;
	v2 =	vimm.f32 @!p0 $1.000000000e+00  }
0x9e: {  	[tilespmem:v3+s3+$0x0] =	vst.idx.add.f32.msk @!p0 $0xffff, v2  }
0x9f: {  	v3 =	vld @!p0 [tilespmem:$0x7590];
	_ =	sdelay $0x4  }
0xa0: {  	v4 =	vld @!p0 [tilespmem:$0x7610];
	_ =	sdelay $0x2  }
0xa1: {  	v3 =	vld.idx.msk @!p0 [tilespmem:v3+s0+$0x0], $0xffff;
	_ =	sdelay $0x4  }
0xa2: {  	[tilespmem:v4+s1+$0x0] =	vst.idx.add.f32.msk @!p0 $0xffff, v3  }
0xa3: {  	[tilespmem:v4+s3+$0x0] =	vst.idx.add.f32.msk @!p0 $0xffff, v2  }
0xa4: {  	v3 =	vld @!p0 [tilespmem:$0x75A0];
	_ =	sdelay $0x4  }
0xa5: {  	v4 =	vld @!p0 [tilespmem:$0x7620];
	_ =	sdelay $0x2  }
0xa6: {  	v3 =	vld.idx.msk @!p0 [tilespmem:v3+s0+$0x0], $0xffff;
	_ =	sdelay $0x4  }
0xa7: {  	[tilespmem:v4+s1+$0x0] =	vst.idx.add.f32.msk @!p0 $0xffff, v3  }
0xa8: {  	[tilespmem:v4+s3+$0x0] =	vst.idx.add.f32.msk @!p0 $0xffff, v2  }
0xa9: {  	v3 =	vld @!p0 [tilespmem:$0x75B0];
	_ =	sdelay $0x4  }
0xaa: {  	v4 =	vld @!p0 [tilespmem:$0x7630];
	_ =	sdelay $0x2  }
0xab: {  	v3 =	vld.idx.msk @!p0 [tilespmem:v3+s0+$0x0], $0xffff;
	_ =	sdelay $0x4  }
0xac: {  	[tilespmem:v4+s1+$0x0] =	vst.idx.add.f32.msk @!p0 $0xffff, v3  }
0xad: {  	[tilespmem:v4+s3+$0x0] =	vst.idx.add.f32.msk @!p0 $0xffff, v2  }
0xae: {  	v3 =	vld @!p0 [tilespmem:$0x75C0];
	_ =	sdelay $0x4  }
0xaf: {  	v4 =	vld @!p0 [tilespmem:$0x7640];
	_ =	sdelay $0x2  }
0xb0: {  	v3 =	vld.idx.msk @!p0 [tilespmem:v3+s0+$0x0], $0xffff;
	_ =	sdelay $0x4  }
0xb1: {  	[tilespmem:v4+s1+$0x0] =	vst.idx.add.f32.msk @!p0 $0xffff, v3  }
0xb2: {  	[tilespmem:v4+s3+$0x0] =	vst.idx.add.f32.msk @!p0 $0xffff, v2  }
0xb3: {  	v3 =	vld @!p0 [tilespmem:$0x75D0];
	_ =	sdelay $0x4  }
0xb4: {  	v4 =	vld @!p0 [tilespmem:$0x7650];
	_ =	sdelay $0x2  }
0xb5: {  	v3 =	vld.idx.msk @!p0 [tilespmem:v3+s0+$0x0], $0xffff;
	_ =	sdelay $0x4  }
0xb6: {  	[tilespmem:v4+s1+$0x0] =	vst.idx.add.f32.msk @!p0 $0xffff, v3  }
0xb7: {  	[tilespmem:v4+s3+$0x0] =	vst.idx.add.f32.msk @!p0 $0xffff, v2  }
0xb8: {  	v3 =	vld @!p0 [tilespmem:$0x75E0];
	_ =	sdelay $0x4  }
0xb9: {  	v4 =	vld @!p0 [tilespmem:$0x7660];
	_ =	sdelay $0x2  }
0xba: {  	v3 =	vld.idx.msk @!p0 [tilespmem:v3+s0+$0x0], $0xffff;
	_ =	sdelay $0x4  }
0xbb: {  	[tilespmem:v4+s1+$0x0] =	vst.idx.add.f32.msk @!p0 $0xffff, v3  }
0xbc: {  	[tilespmem:v4+s3+$0x0] =	vst.idx.add.f32.msk @!p0 $0xffff, v2  }
0xbd: {  	v3 =	vld @!p0 [tilespmem:$0x75F0];
	_ =	sdelay $0x4  }
0xbe: {  	v4 =	vld @!p0 [tilespmem:$0x7670];
	_ =	sdelay $0x2  }
0xbf: {  	v3 =	vld.idx.msk @!p0 [tilespmem:v3+s0+$0x0], $0xffff;
	_ =	sdelay $0x4  }
0xc0: {  	[tilespmem:v4+s1+$0x0] =	vst.idx.add.f32.msk @!p0 $0xffff, v3  }
0xc1: {  	s17 =	simm.s32 $0x80;
	s18 =	simm.s32 $0x400;
	s14 =	rddreg [dreg:$0x9];
	[tilespmem:v4+s3+$0x0] =	vst.idx.add.f32.msk @!p0 $0xffff, v2  }
0xc2: {  	[spmem:s14] =	stream.strided.scatter [tilespmem:s15], [sflag:$0x2], $0x2800, s18, s17, $0x38;
	[tilespmem:$0x16B80] =	vst v63  }
0xc3: {  	_ =	swait.ge [sflag:s4], $0x2800  }
0xc4: {  	[sflag:s4] =	ssyncset.done $0x0  }
0xc5: {  	s19 =	rddreg [dreg:$0xa];
	[sflag:s4] =	ssyncadd.s32 $0xFFFFD800  }
0xc6: {  	[spmem:s19] =	stream.strided.scatter [tilespmem:s16], [sflag:$0x2], $0x2800, s18, s17, $0x38;
	[tilespmem:$0x16B80] =	vst v63  }
0xc7: {  	_ =	swait.ge [sflag:s4], $0x2800  }
0xc8: {  	[sflag:s4] =	ssyncset.done $0x0  }
0xc9: {  	[sflag:s4] =	ssyncadd.s32 $0xFFFFD800  }
0xca: {  	s21 =	simm.s32 $0x1400;
	[bflag:$0x0] =	sbarrier.arrive $0xFFFF  }
0xcb: {  	s22 =	simm.s32 $0x14000;
	s5 =	simm.s32 $0xC680;
	s20 =	rddreg [dreg:$0xb]  }
0xcc: {  	[tilespmem:s5], [sflag:$0x2] =	stream.strided.gather [spmem:s20], $0x2800, s22, s21, $0x38;
	[tilespmem:$0x16B80] =	vst v63  }
0xcd: {  	_ =	swait.ge [sflag:s4], $0x2800  }
0xce: {  	s24 =	simm.s32 $0xEE80;
	[sflag:s4] =	ssyncset.done $0x0  }
0xcf: {  	s30 =	simm.s32 $0x0;
	s23 =	rddreg [dreg:$0xc];
	[sflag:s4] =	ssyncadd.s32 $0xFFFFD800  }
0xd0: {  	[tilespmem:s24], [sflag:$0x2] =	stream.strided.gather [spmem:s23], $0x2800, s22, s21, $0x38;
	[tilespmem:$0x16B80] =	vst v63  }
0xd1: {  	s0 =	sand.u32 $0x60, s30;
	_ =	swait.ge [sflag:s4], $0x2800  }
0xd2: {  	s25 =	sand.u32 $0x1C00, s30;
	s31 =	sor.u32 $0x10, s0;
	[sflag:s4] =	ssyncset.done $0x0  }
0xd3: {  	s6 =	sor.u32 s25, s31;
	[sflag:s4] =	ssyncadd.s32 $0xFFFFD800  }
0xd4: {  	v2 =	vld [tilespmem:s6+$0xEE80]  }
0xd5: {  	s26 =	sor.u32 s0, s25;
	v3 =	vld [tilespmem:s6+$0xEF00]  }
0xd6: {  	v4 =	vld [tilespmem:s26+$0xC680]  }
0xd7: {  	v5 =	vld [tilespmem:s6+$0xEF80]  }
0xd8: {  	v13 =	vld [tilespmem:s26+$0xEE80]  }
0xd9: {  	s9 =	sand.u32 $0x3, s30;
	s3 =	sadd.s32 $0x1780, s25;
	v9 =	vld [tilespmem:s6+$0xF000]  }
0xda: {  	s1 =	sshll.u32 s9, $0x5;
	s9 =	sor.u32 s31, s3;
	v14 =	vld [tilespmem:s26+$0xC700]  }
0xdb: {  	v6 =	vld [tilespmem:s9+$0xC680]  }
0xdc: {  	v17 =	vld [tilespmem:s6+$0xF080]  }
0xdd: {  	s7 =	sadd.s32 $0x0, s1;
	v20 =	vld [tilespmem:s26+$0xEF00]  }
0xde: {  	s1 =	sadd.s32 $0x10, s7;
	v23 =	vld [tilespmem:s6+$0xF100]  }
0xdf: {  	s8 =	sor.u32 $0x300, s1;
	v24 =	vld [tilespmem:s26+$0xC780]  }
0xe0: {  	v25 =	vld [tilespmem:s8+$0xEE80];
	[tilespmem:$0x1FFF0] =	vst v6  }
0xe1: {  	v6 =	vld [tilespmem:s9+$0xEE80];
	_ =	sdelay $0x3  }
0xe2: {  	s13 =	sor.u32 $0x380, s1;
	s1 =	sadd.s32 $0x1700, s25  }
0xe3: {  	s20 =	sor.u32 s31, s1;
	v26 =	vld [tilespmem:s13+$0xEE80];
	[tilespmem:$0x1FFA0] =	vst v6  }
0xe4: {  	v6 =	vld [tilespmem:s20+$0xC680];
	_ =	sdelay $0x2  }
0xe5: {  	s17 =	sadd.s32 $0x1400, s25  }
0xe6: {  	s18 =	sor.u32 s31, s17  }
0xe7: {  	v27 =	vld [tilespmem:s18+$0xEE80];
	[tilespmem:$0x1FFE0] =	vst v6  }
0xe8: {  	v6 =	vld [tilespmem:s20+$0xEE80];
	_ =	sdelay $0x2  }
0xe9: {  	s10 =	sadd.s32 $0x1480, s25  }
0xea: {  	s21 =	sor.u32 s31, s10;
	s22 =	sadd.s32 $0x1680, s25  }
0xeb: {  	s11 =	sor.u32 s31, s22;
	v28 =	vld [tilespmem:s21+$0xEE80];
	[tilespmem:$0x1FF90] =	vst v6  }
0xec: {  	v6 =	vld [tilespmem:s11+$0xC680];
	_ =	sdelay $0x3  }
0xed: {  	s23 =	sadd.s32 $0x1600, s25  }
0xee: {  	s24 =	sor.u32 s31, s23;
	[tilespmem:$0x1FFD0] =	vst v6  }
0xef: {  	v6 =	vld [tilespmem:s24+$0xC680];
	_ =	sdelay $0x3  }
0xf0: {  	s12 =	sadd.s32 $0x1580, s25;
	v19 =	vld [tilespmem:s11+$0xEE80]  }
0xf1: {  	s14 =	sor.u32 s31, s12;
	v22 =	vld [tilespmem:s24+$0xEE80];
	[tilespmem:$0x1FFC0] =	vst v6  }
0xf2: {  	v6 =	vld [tilespmem:s14+$0xC680];
	_ =	sdelay $0x3  }
0xf3: {  	s5 =	sadd.s32 $0x1500, s25  }
0xf4: {  	s19 =	sor.u32 s31, s5;
	v29 =	vld [tilespmem:s14+$0xEE80];
	[tilespmem:$0x1FFB0] =	vst v6  }
0xf5: {  	v30 =	vld [tilespmem:s19+$0xEE80]  }
0xf6: {  	v16 =	vld [tilespmem:s19+$0xC680]  }
0xf7: {  	v18 =	vld [tilespmem:s21+$0xC680]  }
0xf8: {  	v21 =	vld [tilespmem:s18+$0xC680]  }
0xf9: {  	v31 =	vld [tilespmem:s6+$0xC900]  }
0xfa: {  	v32 =	vld [tilespmem:s6+$0xC880]  }
0xfb: {  	v33 =	vld [tilespmem:s6+$0xC800]  }
0xfc: {  	v34 =	vld [tilespmem:s6+$0xC780]  }
0xfd: {  	v35 =	vld [tilespmem:s6+$0xC680]  }
0xfe: {  	v36 =	vld [tilespmem:s6+$0xC700]  }
0xff: {  	v37 =	vld [tilespmem:s13+$0xC680]  }
0x100: {  	v38 =	vld [tilespmem:s8+$0xC680]  }
0x101: {  	v39 =	vld [tilespmem:s26+$0xEF80]  }
0x102: {  	v40 =	vld [tilespmem:s26+$0xC800]  }
0x103: {  	v41 =	vld [tilespmem:s26+$0xF000]  }
0x104: {  	v42 =	vld [tilespmem:s26+$0xC880]  }
0x105: {  	v43 =	vld [tilespmem:s26+$0xF080]  }
0x106: {  	s24 =	sor.u32 s30, s30;
	v44 =	vld [tilespmem:s26+$0xC900]  }
0x107: {  	s4 =	sor.u32 $0x380, s24;
	v45 =	vld [tilespmem:s26+$0xF100]  }
0x108: {  	v48 =	vld [tilespmem:s4+$0xC680]  }
0x109: {  	s25 =	sor.u32 s0, s17;
	v49 =	vld [tilespmem:s4+$0xEE80]  }
0x10a: {  	v50 =	vld [tilespmem:s25+$0xC680]  }
0x10b: {  	s5 =	sor.u32 s0, s5;
	v51 =	vld [tilespmem:s25+$0xEE80]  }
0x10c: {  	v54 =	vld [tilespmem:s5+$0xC680]  }
0x10d: {  	s9 =	sor.u32 s0, s1;
	v55 =	vld [tilespmem:s5+$0xEE80]  }
0x10e: {  	v62 =	vld [tilespmem:s9+$0xC680]  }
0x10f: {  	s3 =	sor.u32 s0, s3;
	v63 =	vld [tilespmem:s9+$0xEE80]  }
0x110: {  	v12 =	vld [tilespmem:s3+$0xC680]  }
0x111: {  	s21 =	sor.u32 $0x300, s7;
	v15 =	vld [tilespmem:s3+$0xEE80]  }
0x112: {  	v46 =	vld [tilespmem:s21+$0xC680]  }
0x113: {  	s26 =	sor.u32 s0, s10;
	v47 =	vld [tilespmem:s21+$0xEE80]  }
0x114: {  	v52 =	vld [tilespmem:s26+$0xC680]  }
0x115: {  	s6 =	sor.u32 s0, s12;
	v53 =	vld [tilespmem:s26+$0xEE80]  }
0x116: {  	v56 =	vld [tilespmem:s6+$0xC680]  }
0x117: {  	s7 =	sor.u32 s0, s23;
	v57 =	vld [tilespmem:s6+$0xEE80]  }
0x118: {  	v2 =	vadd.f32 v3, v2;
	s1 =	simm.s32 $0x20;
	v58 =	vld [tilespmem:s7+$0xC680]  }
0x119: {  	s28 =	simm.s32 $0x100;
	s8 =	sor.u32 s0, s22;
	s0 =	sand.u32 $0x60, s1;
	v59 =	vld [tilespmem:s7+$0xEE80]  }
0x11a: {  	v2 =	vadd.f32 v5, v2;
	v60 =	vld [tilespmem:s8+$0xC680];
	s6 =	sand.u32 $0x1C00, s28;
	s13 =	sor.u32 $0x10, s0  }
0x11b: {  	v61 =	vld [tilespmem:s8+$0xEE80];
	s7 =	sor.u32 s6, s13  }
0x11c: {  	v2 =	vadd.f32 v9, v2;
	v7 =	vld [tilespmem:s7+$0xEE80]  }
0x11d: {  	v6 =	vld [tilespmem:s7+$0xEF00]  }
0x11e: {  	v3 =	vadd.f32 v17, v2;
	v8 =	vld [tilespmem:s7+$0xEF80]  }
0x11f: {  	v9 =	vld [tilespmem:s7+$0xF000]  }
0x120: {  	v3 =	vadd.f32 v23, v3;
	s22 =	sadd.s32 $0x1780, s6;
	v10 =	vld [tilespmem:s7+$0xF080]  }
0x121: {  	s10 =	sor.u32 s13, s22;
	v17 =	vld [tilespmem:s7+$0xF100]  }
0x122: {  	v5 =	vadd.f32 v25, v3;
	s4 =	sadd.s32 $0x1400, s6;
	v2 =	vld [tilespmem:s10+$0xC680]  }
0x123: {  	s23 =	sadd.s32 $0x1700, s6;
	s11 =	sor.u32 s13, s4;
	v23 =	vld [tilespmem:s10+$0xEE80]  }
0x124: {  	v5 =	vadd.f32 v26, v5;
	s3 =	sadd.s32 $0x1480, s6;
	s12 =	sor.u32 s13, s23;
	v11 =	vld [tilespmem:s11+$0xEE80]  }
0x125: {  	s14 =	sor.u32 s13, s3;
	v3 =	vld [tilespmem:s12+$0xC680]  }
0x126: {  	v4 =	vadd.f32 v14, v4;
	v5 =	vadd.f32 v27, v5;
	s24 =	sadd.s32 $0x1680, s6;
	v25 =	vld [tilespmem:s14+$0xEE80]  }
0x127: {  	s18 =	sor.u32 s13, s24;
	v14 =	vld [tilespmem:s12+$0xEE80]  }
0x128: {  	v24 =	vadd.f32 v24, v4;
	v28 =	vadd.f32 v28, v5;
	s25 =	sadd.s32 $0x1600, s6;
	v4 =	vld [tilespmem:s18+$0xC680]  }
0x129: {  	v13 =	vadd.f32 v20, v13;
	s19 =	sor.u32 s13, s25;
	v20 =	vld [tilespmem:s18+$0xEE80]  }
0x12a: {  	v27 =	vld [tilespmem:s19+$0xEE80];
	v28 =	vadd.f32 v30, v28  }
0x12b: {  	v5 =	vld [tilespmem:s19+$0xC680];
	v35 =	vadd.f32 v36, v35  }
0x12c: {  	v28 =	vadd.f32 v29, v28;
	v29 =	vld [tilespmem:s11+$0xC680]  }
0x12d: {  	s29 =	simm.s32 $0x1;
	v13 =	vadd.f32 v39, v13;
	v36 =	vadd.f32 v34, v35;
	v34 =	vld [tilespmem:s7+$0xC900]  }
0x12e: {  	s9 =	sand.u32 $0x3, s29;
	s17 =	sadd.s32 $0x1580, s6;
	v24 =	vadd.f32 v40, v24;
	v35 =	vld [tilespmem:s7+$0xC780]  }
0x12f: {  	s8 =	sshll.u32 s9, $0x5;
	s20 =	sor.u32 s13, s17;
	v13 =	vadd.f32 v41, v13;
	v6 =	vadd.f32 v6, v7;
	v7 =	vld [tilespmem:$0x1FFB0]  }
0x130: {  	s8 =	sadd.s32 $0x100, s8;
	v26 =	vadd.f32 v33, v36;
	v33 =	vld [tilespmem:s20+$0xEE80]  }
0x131: {  	s10 =	sadd.s32 $0x10, s8;
	v24 =	vadd.f32 v42, v24;
	v43 =	vadd.f32 v43, v13;
	v13 =	vld [tilespmem:s20+$0xC680]  }
0x132: {  	s12 =	sor.u32 $0x300, s10;
	v22 =	vadd.f32 v22, v28;
	v28 =	vld [tilespmem:s7+$0xC880]  }
0x133: {  	s21 =	sadd.s32 $0x1500, s6;
	v24 =	vadd.f32 v44, v24;
	v44 =	vld [tilespmem:s12+$0xC680];
	v26 =	vadd.f32 v32, v26  }
0x134: {  	s26 =	sor.u32 s13, s21;
	v6 =	vadd.f32 v8, v6;
	v8 =	vld [tilespmem:$0x1FFC0]  }
0x135: {  	v46 =	vadd.f32 v46, v24;
	v24 =	vld [tilespmem:s26+$0xC680];
	v26 =	vadd.f32 v31, v26  }
0x136: {  	s6 =	sor.u32 s0, s6;
	v45 =	vadd.f32 v45, v43;
	v32 =	vld [tilespmem:s14+$0xC680]  }
0x137: {  	v6 =	vadd.f32 v9, v6;
	v9 =	vld [tilespmem:s6+$0xEE80];
	v26 =	vadd.f32 v38, v26  }
0x138: {  	v31 =	vld [tilespmem:s26+$0xEE80];
	v30 =	vadd.f32 v47, v45  }
0x139: {  	v47 =	vadd.f32 v48, v46;
	v45 =	vld [tilespmem:s6+$0xC680];
	v26 =	vadd.f32 v37, v26  }
0x13a: {  	v46 =	vld [tilespmem:$0x1FFD0];
	v6 =	vadd.f32 v10, v6;
	v30 =	vadd.f32 v49, v30  }
0x13b: {  	v10 =	vld [tilespmem:s6+$0xEF00];
	v48 =	vadd.f32 v50, v47;
	v21 =	vadd.f32 v21, v26  }
0x13c: {  	v19 =	vadd.f32 v19, v22;
	v50 =	vld [tilespmem:$0x1FF90];
	v49 =	vadd.f32 v51, v30  }
0x13d: {  	v47 =	vld [tilespmem:s6+$0xC700];
	v22 =	vadd.f32 v52, v48;
	v18 =	vadd.f32 v18, v21  }
0x13e: {  	v6 =	vadd.f32 v17, v6;
	v30 =	vld [tilespmem:s7+$0xC800];
	v51 =	vadd.f32 v53, v49  }
0x13f: {  	v52 =	vld [tilespmem:$0x1FFA0];
	v22 =	vadd.f32 v54, v22;
	v16 =	vadd.f32 v16, v18  }
0x140: {  	v26 =	vld [tilespmem:s7+$0xC680];
	v9 =	vadd.f32 v10, v9;
	v54 =	vadd.f32 v55, v51  }
0x141: {  	v53 =	vld [tilespmem:s7+$0xC700];
	v22 =	vadd.f32 v56, v22;
	v7 =	vadd.f32 v7, v16  }
0x142: {  	v48 =	vld [tilespmem:$0x1FFE0];
	v19 =	vadd.f32 v50, v19;
	v56 =	vadd.f32 v57, v54  }
0x143: {  	v57 =	vld [tilespmem:s12+$0xEE80];
	v22 =	vadd.f32 v58, v22;
	v7 =	vadd.f32 v8, v7  }
0x144: {  	s11 =	sor.u32 $0x380, s10;
	v51 =	vld [tilespmem:$0x1FFF0];
	v19 =	vadd.f32 v52, v19;
	v8 =	vadd.f32 v59, v56  }
0x145: {  	v37 =	vld [tilespmem:s11+$0xC680];
	v22 =	vadd.f32 v60, v22;
	v7 =	vadd.f32 v46, v7  }
0x146: {  	v55 =	vld [tilespmem:s11+$0xEE80];
	v10 =	vadd.f32 v53, v26;
	v8 =	vadd.f32 v61, v8  }
0x147: {  	v49 =	vld [tilespmem:s6+$0xC780];
	v22 =	vadd.f32 v62, v22;
	v7 =	vadd.f32 v48, v7  }
0x148: {  	v50 =	vld [tilespmem:s6+$0xEF80];
	v6 =	vadd.f32 v57, v6;
	v8 =	vadd.f32 v63, v8  }
0x149: {  	v12 =	vadd.f32 v12, v22;
	v22 =	vadd.f32 v51, v7;
	v7 =	vld [tilespmem:s6+$0xC800]  }
0x14a: {  	v52 =	vld [tilespmem:s6+$0xF000];
	v15 =	vadd.f32 v15, v8;
	v8 =	vadd.f32 v47, v45  }
0x14b: {  	v53 =	vld [tilespmem:s6+$0xC880];
	v6 =	vadd.f32 v55, v6  }
0x14c: {  	v54 =	vld [tilespmem:s6+$0xF080];
	v10 =	vadd.f32 v35, v10;
	v8 =	vadd.f32 v49, v8  }
0x14d: {  	v9 =	vadd.f32 v50, v9;
	v55 =	vld [tilespmem:s6+$0xC900];
	v6 =	vadd.f32 v11, v6  }
0x14e: {  	s14 =	sor.u32 $0x300, s8;
	v10 =	vadd.f32 v30, v10;
	v7 =	vadd.f32 v7, v8;
	v8 =	vld [tilespmem:s6+$0xF100]  }
0x14f: {  	s18 =	sor.u32 s28, s1;
	v9 =	vadd.f32 v52, v9;
	v11 =	vld [tilespmem:s14+$0xC680];
	v6 =	vadd.f32 v25, v6  }
0x150: {  	v56 =	vld [tilespmem:s14+$0xEE80];
	v10 =	vadd.f32 v28, v10;
	s6 =	sor.u32 $0x380, s18;
	v7 =	vadd.f32 v53, v7  }
0x151: {  	v9 =	vadd.f32 v54, v9;
	v6 =	vadd.f32 v31, v6;
	v57 =	vld [tilespmem:s6+$0xC680]  }
0x152: {  	s4 =	sor.u32 s0, s4;
	v10 =	vadd.f32 v34, v10;
	v58 =	vld [tilespmem:s6+$0xEE80];
	v7 =	vadd.f32 v55, v7  }
0x153: {  	v6 =	vadd.f32 v33, v6;
	v8 =	vadd.f32 v8, v9;
	v9 =	vld [tilespmem:s4+$0xC680]  }
0x154: {  	s3 =	sor.u32 s0, s3;
	v59 =	vld [tilespmem:s4+$0xEE80];
	v10 =	vadd.f32 v44, v10;
	v7 =	vadd.f32 v11, v7  }
0x155: {  	v6 =	vadd.f32 v27, v6;
	v11 =	vld [tilespmem:s3+$0xC680];
	v8 =	vadd.f32 v56, v8  }
0x156: {  	s19 =	sor.u32 s0, s21;
	v60 =	vld [tilespmem:s3+$0xEE80];
	v10 =	vadd.f32 v37, v10;
	v7 =	vadd.f32 v57, v7  }
0x157: {  	v61 =	vld [tilespmem:s19+$0xC680];
	v6 =	vadd.f32 v20, v6;
	v8 =	vadd.f32 v58, v8  }
0x158: {  	s20 =	sor.u32 s0, s17;
	v62 =	vld [tilespmem:s19+$0xEE80];
	v7 =	vadd.f32 v9, v7;
	v9 =	vadd.f32 v29, v10  }
0x159: {  	v6 =	vadd.f32 v14, v6;
	v10 =	vld [tilespmem:s20+$0xC680];
	v8 =	vadd.f32 v59, v8  }
0x15a: {  	s25 =	sor.u32 s0, s25;
	s21 =	sand.u32 $0x380, s30;
	s30 =	simm.s32 $0x11680;
	v63 =	vld [tilespmem:s20+$0xEE80];
	v11 =	vadd.f32 v11, v7;
	v9 =	vadd.f32 v32, v9  }
0x15b: {  	[tilespmem:s30+$0x0] =	vst v12;
	s4 =	sor.u32 s21, s31;
	v14 =	vadd.f32 v23, v6;
	v7 =	vld [tilespmem:s25+$0xC680];
	v8 =	vadd.f32 v60, v8  }
0x15c: {  	s26 =	sor.u32 s0, s24;
	[tilespmem:s4+$0x11900] =	vst v19;
	v6 =	vld [tilespmem:s25+$0xEE80];
	v11 =	vadd.f32 v61, v11;
	v12 =	vadd.f32 v24, v9  }
0x15d: {  	s1 =	sand.u32 $0x380, s1;
	s31 =	simm.s32 $0x11900;
	[tilespmem:s4+$0x11680] =	vst v22;
	v16 =	vadd.f32 v62, v8;
	v8 =	vld [tilespmem:s26+$0xC680]  }
0x15e: {  	s23 =	sor.u32 s0, s23;
	[tilespmem:s31+$0x0] =	vst v15;
	s25 =	sor.u32 s1, s13;
	v9 =	vld [tilespmem:s26+$0xEE80];
	v11 =	vadd.f32 v10, v11;
	v13 =	vadd.f32 v13, v12  }
0x15f: {  	s1 =	simm.s32 $0x2;
	s13 =	sor.u32 s0, s22;
	s0 =	simm.s32 $0x40;
	[tilespmem:s25+$0x11900] =	vst v14;
	v10 =	vld [tilespmem:s23+$0xC680];
	v12 =	vadd.f32 v63, v16  }
.LBB2_6:
0x160: {  	s18 =	sand.u32 $0x60, s0;
	v7 =	vadd.f32 v7, v11;
	v11 =	vld [tilespmem:s23+$0xEE80];
	v5 =	vadd.f32 v5, v13;
	s28 =	sadd.s32 $0x100, s28  }
0x161: {  	s1 =	sadd.s32 $0x2, s1;
	s8 =	sand.u32 $0x1C00, s28;
	s3 =	sor.u32 $0x10, s18;
	v6 =	vadd.f32 v6, v12;
	v12 =	vld [tilespmem:s13+$0xC680]  }
0x162: {  	p1 =	slt.u32 s1, $0x26;
	s24 =	sor.u32 s18, s8;
	s4 =	sor.u32 s8, s3;
	v7 =	vadd.f32 v8, v7;
	v8 =	vld [tilespmem:s13+$0xEE80];
	v4 =	vadd.f32 v4, v5  }
0x163: {  	s5 =	sor.u32 s28, s0;
	v5 =	vld [tilespmem:s4+$0xEE80];
	v6 =	vadd.f32 v9, v6  }
0x164: {  	s22 =	sor.u32 $0x380, s5;
	v9 =	vld [tilespmem:s4+$0xEF00];
	v7 =	vadd.f32 v10, v7;
	v3 =	vadd.f32 v3, v4  }
0x165: {  	v4 =	vld [tilespmem:s24+$0xC680];
	v6 =	vadd.f32 v11, v6  }
0x166: {  	v10 =	vld [tilespmem:s4+$0xEF80];
	v7 =	vadd.f32 v12, v7;
	v2 =	vadd.f32 v2, v3  }
0x167: {  	v3 =	vld [tilespmem:s24+$0xEE80];
	v6 =	vadd.f32 v8, v6  }
0x168: {  	s29 =	sadd.s32 $0x1, s29;
	s30 =	sadd.s32 $0x20, s30;
	v8 =	vld [tilespmem:s4+$0xF000];
	[tilespmem:s25+$0x11680] =	vst v2  }
0x169: {  	s31 =	sadd.s32 $0x20, s31;
	s5 =	sand.u32 $0x3, s29;
	v2 =	vld [tilespmem:s24+$0xC700];
	v5 =	vadd.f32 v9, v5;
	[tilespmem:s30+$0x0] =	vst v7  }
0x16a: {  	s5 =	sshll.u32 s5, $0x5;
	v7 =	vld [tilespmem:s4+$0xF080];
	[tilespmem:s31+$0x0] =	vst v6  }
0x16b: {  	s5 =	sadd.s32 s5, s28;
	v6 =	vld [tilespmem:s24+$0xEF00];
	v5 =	vadd.f32 v10, v5  }
0x16c: {  	s17 =	sor.u32 $0x300, s5;
	s5 =	sadd.s32 $0x10, s5;
	v9 =	vld [tilespmem:s4+$0xF100]  }
0x16d: {  	s6 =	sadd.s32 $0x1780, s8;
	s9 =	sor.u32 $0x300, s5;
	v10 =	vld [tilespmem:s24+$0xC780];
	v5 =	vadd.f32 v8, v5  }
0x16e: {  	s13 =	sor.u32 s18, s6;
	s7 =	sor.u32 s3, s6;
	v4 =	vadd.f32 v2, v4;
	v8 =	vld [tilespmem:s9+$0xEE80]  }
0x16f: {  	s25 =	sor.u32 $0x380, s5;
	v5 =	vadd.f32 v7, v5;
	v2 =	vld [tilespmem:s7+$0xC680]  }
0x170: {  	s5 =	sadd.s32 $0x1400, s8;
	v6 =	vadd.f32 v6, v3;
	v7 =	vld [tilespmem:s25+$0xEE80]  }
0x171: {  	s20 =	sadd.s32 $0x1700, s8;
	s6 =	sor.u32 s18, s5;
	s10 =	sor.u32 s3, s5;
	v3 =	vadd.f32 v9, v5;
	v9 =	vld [tilespmem:s7+$0xEE80]  }
0x172: {  	s23 =	sor.u32 s18, s20;
	s21 =	sor.u32 s3, s20;
	s5 =	sadd.s32 $0x1480, s8;
	v10 =	vadd.f32 v10, v4;
	v4 =	vld [tilespmem:s10+$0xEE80]  }
0x173: {  	s11 =	sor.u32 s3, s5;
	s7 =	sor.u32 s18, s5;
	v5 =	vadd.f32 v8, v3;
	v3 =	vld [tilespmem:s21+$0xC680]  }
0x174: {  	s5 =	sadd.s32 $0x1500, s8;
	v8 =	vld [tilespmem:s11+$0xEE80]  }
0x175: {  	s12 =	sadd.s32 $0x1680, s8;
	s20 =	sor.u32 s18, s5;
	s14 =	sor.u32 s3, s5;
	v5 =	vadd.f32 v7, v5;
	v7 =	vld [tilespmem:s21+$0xEE80]  }
0x176: {  	s26 =	sadd.s32 $0x1580, s8;
	s5 =	sor.u32 s18, s12;
	s12 =	sor.u32 s3, s12;
	v11 =	vld [tilespmem:s14+$0xEE80]  }
0x177: {  	s21 =	sor.u32 s18, s26;
	s26 =	sor.u32 s3, s26;
	v5 =	vadd.f32 v4, v5;
	v4 =	vld [tilespmem:s12+$0xC680]  }
0x178: {  	s19 =	sadd.s32 $0x1600, s8;
	v12 =	vld [tilespmem:s26+$0xEE80]  }
0x179: {  	s8 =	sor.u32 s18, s19;
	s18 =	sor.u32 s3, s19;
	v5 =	vadd.f32 v8, v5;
	v8 =	vld [tilespmem:s12+$0xEE80]  }
0x17a: {  	v13 =	vld [tilespmem:s18+$0xEE80]  }
0x17b: {  	v11 =	vadd.f32 v11, v5;
	v5 =	vld [tilespmem:s18+$0xC680]  }
0x17c: {  	v14 =	vld [tilespmem:s26+$0xC680]  }
0x17d: {  	v15 =	vld [tilespmem:s14+$0xC680];
	v11 =	vadd.f32 v12, v11  }
0x17e: {  	v12 =	vld [tilespmem:s11+$0xC680]  }
0x17f: {  	v16 =	vld [tilespmem:s10+$0xC680];
	v11 =	vadd.f32 v13, v11  }
0x180: {  	v13 =	vld [tilespmem:s4+$0xC900]  }
0x181: {  	v17 =	vld [tilespmem:s4+$0xC880];
	v8 =	vadd.f32 v8, v11  }
0x182: {  	v11 =	vld [tilespmem:s4+$0xC800]  }
0x183: {  	v18 =	vld [tilespmem:s4+$0xC780];
	v7 =	vadd.f32 v7, v8  }
0x184: {  	v8 =	vld [tilespmem:s4+$0xC680]  }
0x185: {  	v19 =	vld [tilespmem:s4+$0xC700];
	v7 =	vadd.f32 v9, v7;
	s4 =	sand.u32 $0x380, s0  }
0x186: {  	v9 =	vld [tilespmem:s25+$0xC680];
	s25 =	sor.u32 s4, s3  }
0x187: {  	v20 =	vld [tilespmem:s9+$0xC680];
	[tilespmem:s25+$0x11900] =	vst v7  }
0x188: {  	v7 =	vld [tilespmem:s24+$0xEF80]  }
0x189: {  	v21 =	vld [tilespmem:s24+$0xC800]  }
0x18a: {  	v22 =	vld [tilespmem:s24+$0xF000];
	v8 =	vadd.f32 v19, v8  }
0x18b: {  	v19 =	vld [tilespmem:s24+$0xC880]  }
0x18c: {  	v23 =	vld [tilespmem:s24+$0xF080];
	v8 =	vadd.f32 v18, v8  }
0x18d: {  	v6 =	vadd.f32 v7, v6;
	v7 =	vld [tilespmem:s24+$0xC900]  }
0x18e: {  	v10 =	vadd.f32 v21, v10;
	v18 =	vld [tilespmem:s24+$0xF100];
	v8 =	vadd.f32 v11, v8  }
0x18f: {  	v6 =	vadd.f32 v22, v6;
	v11 =	vld [tilespmem:s17+$0xC680]  }
0x190: {  	v10 =	vadd.f32 v19, v10;
	v19 =	vld [tilespmem:s17+$0xEE80];
	v8 =	vadd.f32 v17, v8  }
0x191: {  	v6 =	vadd.f32 v23, v6;
	v17 =	vld [tilespmem:s22+$0xC680]  }
0x192: {  	v7 =	vadd.f32 v7, v10;
	v10 =	vld [tilespmem:s22+$0xEE80];
	v8 =	vadd.f32 v13, v8  }
0x193: {  	v6 =	vadd.f32 v18, v6;
	v13 =	vld [tilespmem:s6+$0xC680]  }
0x194: {  	v7 =	vadd.f32 v11, v7;
	v11 =	vld [tilespmem:s6+$0xEE80];
	v8 =	vadd.f32 v20, v8  }
0x195: {  	v6 =	vadd.f32 v19, v6;
	v18 =	vld [tilespmem:s7+$0xC680]  }
0x196: {  	v7 =	vadd.f32 v17, v7;
	v17 =	vld [tilespmem:s7+$0xEE80];
	v8 =	vadd.f32 v9, v8  }
0x197: {  	v6 =	vadd.f32 v10, v6;
	v9 =	vld [tilespmem:s20+$0xC680]  }
0x198: {  	v7 =	vadd.f32 v13, v7;
	v10 =	vld [tilespmem:s20+$0xEE80];
	v8 =	vadd.f32 v16, v8  }
0x199: {  	v6 =	vadd.f32 v11, v6;
	v11 =	vld [tilespmem:s21+$0xC680]  }
0x19a: {  	v13 =	vadd.f32 v18, v7;
	v16 =	vld [tilespmem:s21+$0xEE80];
	v8 =	vadd.f32 v12, v8  }
.Ltmp2:
0x19b: {  	v12 =	vadd.f32 v17, v6;
	v7 =	vld [tilespmem:s8+$0xC680];
	(pc) =	sbr.rel @p1 .LBB2_6-.Ltmp2, $4  }
0x19c: {  	v9 =	vadd.f32 v9, v13;
	v6 =	vld [tilespmem:s8+$0xEE80];
	v13 =	vadd.f32 v15, v8  }
0x19d: {  	v10 =	vadd.f32 v10, v12;
	v8 =	vld [tilespmem:s5+$0xC680]  }
0x19e: {  	v11 =	vadd.f32 v11, v9;
	v9 =	vld [tilespmem:s5+$0xEE80];
	v13 =	vadd.f32 v14, v13  }
0x19f: {  	s0 =	sadd.s32 $0x20, s0;
	v12 =	vadd.f32 v16, v10;
	v10 =	vld [tilespmem:s23+$0xC680]  }
0x1a0: {  	v5 =	vadd.f32 v5, v13  }
0x1a1: {  	v7 =	vadd.f32 v7, v11;
	v57 =	vld [tilespmem:s23+$0xEE80]  }
0x1a2: {  	v58 =	vld [tilespmem:s13+$0xC680];
	v6 =	vadd.f32 v6, v12;
	v4 =	vadd.f32 v4, v5  }
0x1a3: {  	v60 =	vld [tilespmem:s13+$0xEE80];
	v59 =	vadd.f32 v8, v7  }
0x1a4: {  	v6 =	vadd.f32 v9, v6;
	v3 =	vadd.f32 v3, v4  }
0x1a5: {  	v61 =	vadd.f32 v10, v59  }
0x1a6: {  	v62 =	vadd.f32 v57, v6;
	v2 =	vadd.f32 v2, v3  }
0x1a7: {  	v3 =	vadd.f32 v58, v61  }
0x1a8: {  	s0 =	sadd.s32 $0x20, s30;
	v63 =	vadd.f32 v60, v62;
	[tilespmem:s25+$0x11680] =	vst v2  }
0x1a9: {  	s26 =	sadd.s32 $0x20, s31;
	[tilespmem:s0+$0x0] =	vst v3  }
0x1aa: {  	[tilespmem:s26+$0x0] =	vst v63  }
0x1ab: {  	s1 =	simm.s32 $0x11680;
	s4 =	simm.s32 $0x2;
	s0 =	rddreg [dreg:$0xd]  }
0x1ac: {  	[hbm4b:s0+s2] =	stream.linear.scatter [tilespmem:s1], [sflag:$0x2], $0x280, $0x38;
	[tilespmem:$0x16B80] =	vst v63  }
0x1ad: {  	_ =	swait.ge [sflag:s4], $0x280  }
0x1ae: {  	[sflag:s4] =	ssyncset.done $0x0  }
0x1af: {  	s29 =	simm.s32 $0x11900;
	s28 =	rddreg [dreg:$0xe];
	[sflag:s4] =	ssyncadd.s32 $0xFFFFFD80  }
0x1b0: {  	[hbm4b:s28+s2] =	stream.linear.scatter [tilespmem:s29], [sflag:$0x2], $0x280, $0x38;
	[tilespmem:$0x16B80] =	vst v63  }
0x1b1: {  	_ =	swait.ge [sflag:s4], $0x280  }
0x1b2: {  	s30 =	rddreg [dreg:$0x10]  }
0x1b3: {  	s31 =	rddreg [dreg:$0xf];
	s1 =	sadd.s32 $0x1, s30  }
0x1b4: {  	p1 =	sne.s32 s1, s31  }
.Ltmp3:
0x1b5: {  	_ = 	snop;
	(pc) =	sbr.rel @p1 .LBB2_1-.Ltmp3, $3  }
0x1b6: {  	_ =	sdelay $0x1  }
0x1b7: {  	[sflag:s4] =	ssyncset.done $0x0  }
0x1b8: {  	[sflag:s4] =	ssyncadd.s32 $0xFFFFFD80  }
0x1b9: {  	_ =	sfence.sel $0x180000  }
0x1ba: {  	[bflag:$0x0] =	sbarrier.arrive $0xFFFF  }
0x1bb: {  	_ =	strace $0x90000047  }
0x1bc: {  	s0 =	stileid.u32;
	[bflag:$0x2] =	sbarrier.arrive $0xFFFF  }
0x1bd: {  	p0 =	sne.s32 s0, $0x0;
	s0 =	rddreg [dreg:$0x5]  }
0x1be: {  	s0 =	sadd.s32 @!p0 $0x100000, s0  }
0x1bf: {  	[sflag:s0] =	ssyncadd.tile.s32 @!p0 $0x1;
	_ =	shalt  }
.Lfunc_end2:
_tile_overlayer_lowered:
.L_overlay_start_2:
0x1c0: {  	(tag) =	ssettag $0x2  }
0x1c1: {  	s0 =	rddreg [dreg:$0x0];
	s2 =	stileid.u32  }
0x1c2: {  	s1 =	rddreg [dreg:$0x1];
	p0 =	sne.s32 s2, $0x0  }
0x1c3: {  	s3 =	rddreg [dreg:$0x2];
	[bflag:$0x3] =	sbarrier.arrive $0xFFFF;
	s2 =	simm.s32 @!p0 $0x1C02  }
0x1c4: {  	[timem:s3], [sflag:s2] =	dma.local @!p0 [hbm:s0], s1  }
0x1c5: {  	s0 =	simm.s32 @!p0 $0x2  }
0x1c6: {  	_ =	swait.ge @!p0 [sflag:s0], s1  }
0x1c7: {  	s1 =	ssub.s32 @!p0 $0x0, s1;
	[sflag:s0] =	ssyncset.done @!p0 $0x0  }
0x1c8: {  	[sflag:s0] =	ssyncadd.s32 @!p0 s1  }
0x1c9: {  	[bflag:$0x3] =	sbarrier.arrive $0xFFFF  }
0x1ca: {  	_ =	shalt  }

</sc_bundles>
